<compile_context>
chip_gen: v7x
topology: tpu7x:2x2x1
jax: 0.10.2.dev20260603
libtpu: 0.0.44.dev20260713+nightly
codegen_flags: <defaults>
</compile_context>

<pallas_src>
import functools

import jax
import jax.numpy as jnp
from jax import lax
from jax.experimental import pallas as pl
from jax.experimental.pallas import tpu as pltpu
from jax.experimental.pallas import tpu_sc as plsc

NC = 2
NS = 16
NW = NC * NS

CH = 128
NB = 10


PAIR_W = 16384


def _transpose_table_tc(table_t, v, d):
    w = PAIR_W
    grid = (v + 2 * w - 1) // (2 * w)
    h = grid * w

    def body(in_ref, out_ref):
        x = in_ref[...]
        out_ref[...] = jnp.concatenate([x[:, :w].T, x[:, w:].T], axis=1)

    return pl.pallas_call(
        body,
        grid=(grid,),
        in_specs=[pl.BlockSpec((d, 2 * w), lambda i: (0, i))],
        out_specs=pl.BlockSpec((w, 2 * d), lambda i: (i, 0)),
        out_shape=jax.ShapeDtypeStruct((h, 2 * d), jnp.float32),
    )(table_t), h


@functools.partial(jax.jit, static_argnums=(2, 3, 4))
def _emb_lookup(xr, table, total, d, nch):
    mesh = plsc.VectorSubcoreMesh(core_axis_name="c", subcore_axis_name="s")
    b_per_w = nch * CH

    @functools.partial(
        pl.kernel,
        mesh=mesh,
        out_type=jax.ShapeDtypeStruct((total, d), jnp.float32),
        scratch_types=[
            pltpu.VMEM((nch, CH), jnp.int32),
            pltpu.VMEM((NB, CH, d), jnp.float32),
            pltpu.SemaphoreType.DMA,
            pltpu.SemaphoreType.DMA,
        ],
        compiler_params=pltpu.CompilerParams(use_tc_tiling_on_sc=False),
    )
    def k(x_hbm, tab_hbm, out_hbm, idx_v, rows_v, gsem, ssem):
        wid = lax.axis_index("s") * NC + lax.axis_index("c")
        base = wid * b_per_w
        pltpu.sync_copy(x_hbm.at[wid], idx_v)

        @pl.loop(0, nch)
        def _(c):
            row = idx_v.at[c]
            for g in range(CH // 16):
                vv = row[pl.ds(g * 16, 16)]
                t1 = (vv >> 15) << 15
                t2 = (vv & (PAIR_W - 1)) << 1
                t3 = (vv >> 14) & 1
                row[pl.ds(g * 16, 16)] = t1 + t2 + t3

        def gather(c, b):
            pltpu.async_copy(tab_hbm.at[idx_v.at[c]], rows_v.at[b], gsem)

        def wait_gather(b):
            pltpu.make_async_copy(
                tab_hbm.at[idx_v.at[0]], rows_v.at[b], gsem).wait()

        def wait_scatter():
            pltpu.make_async_copy(
                rows_v.at[0], out_hbm.at[pl.ds(base, CH)], ssem).wait()

        for b in range(NB):
            gather(b, b)

        @pl.loop(0, nch // NB)
        def _(p):
            for b in range(NB):
                s = p * NB + b
                wait_gather(b)
                pltpu.async_copy(
                    rows_v.at[b], out_hbm.at[pl.ds(base + s * CH, CH)], ssem)
                @pl.when(jnp.logical_and(s >= 2, s < nch - NB + 2))
                def _():
                    wait_scatter()
                    gather(s + NB - 2, (b - 2) % NB)

        for _ in range(NB):
            wait_scatter()

    return k(xr, table)


def kernel(x, embeddings):
    b, h = x.shape
    _, d = embeddings.shape
    total = b * h
    b_per_w = total // NW
    nch = b_per_w // CH
    xr = x.reshape(NW, nch, CH).astype(jnp.int32)
    v = embeddings.shape[0]
    table_lin, hh = _transpose_table_tc(embeddings.T, v, d)
    out = _emb_lookup(xr, table_lin.reshape(2 * hh, d), total, d, nch)
    return out.reshape(b, h, d)

# --- scband reference (transcript-rebuilt; emitter-appended) ---
"""Pipeline reference for scband-embedding-10127532884302 (READ-ONLY COPY).

The authoritative reference and input builder live on the scoring server;
editing this copy changes nothing except your own understanding.
"""

import jax, jax.numpy as jnp
import numpy as np

VOCAB = 1000000
DIM = 64
BATCH = 16384
HIST = 20

def setup_inputs(seed: int = 0) -> dict:
    key = jax.random.key(seed)
    k_idx, k_emb = jax.random.split(key)
    x = jax.random.randint(k_idx, (BATCH, HIST), 0, VOCAB, dtype=jnp.int64 if jax.config.jax_enable_x64 else jnp.int32)
    embeddings = jax.random.normal(k_emb, (VOCAB, DIM), dtype=jnp.float32) * 0.02
    return {"x": x, "embeddings": embeddings}

def reference(x, embeddings):
    # Faithful translation of: self.embeddings[x]
    return jnp.take(embeddings, x, axis=0)

if __name__ == "__main__":
    import jax
    _d = setup_inputs()
    print(jax.jit(kernel)(*tuple(_d.values())))

</pallas_src>

<mosaic_0001>
#map = affine_map<(d0, d1) -> (0, 0, 0)>
#map1 = affine_map<(d0, d1) -> (0, 0)>
module attributes {stable_mosaic.version = 14 : i64} {
  func.func @k(%arg0: i32, %arg1: i32, %arg2: memref<32x80x128xi32, #tpu.memory_space<hbm>>, %arg3: memref<1015808x64xf32, #tpu.memory_space<hbm>>, %arg4: memref<327680x64xf32, #tpu.memory_space<hbm>>, %arg5: memref<80x128xi32, #tpu.memory_space<vmem>>, %arg6: memref<10x128x64xf32, #tpu.memory_space<vmem>>, %arg7: memref<!tpu.dma_semaphore, #tpu.memory_space<semaphore_mem>>, %arg8: memref<!tpu.dma_semaphore, #tpu.memory_space<semaphore_mem>>) attributes {dimension_semantics = [#tpu.dimension_semantics<core_parallel>, #tpu.dimension_semantics<subcore_parallel>], iteration_bounds = array<i64: 2, 16>, scalar_prefetch = 0 : i64, scratch_operands = 4 : i64, tpu.core_type = #tpu.core_type<sc_vector_subcore>, window_params = [{transform_indices = #map}, {transform_indices = #map1}, {transform_indices = #map1}]} {
    %mul3A = arith.constant 2 : i32
    %mul3A_0 = arith.muli %arg1, %mul3A : i32
    %add3A = arith.addi %mul3A_0, %arg0 : i32
    %mul3A_1 = arith.constant 10240 : i32
    %mul3A_2 = arith.muli %add3A, %mul3A_1 : i32
    "tpu.region"() ({
      %run_scoped3A = tpu.sem_alloc : memref<!tpu.dma_semaphore, #tpu.memory_space<semaphore_mem>>
      %dma_start3A_260 = arith.constant 0 : i32
      %dma_start3A_261 = arith.constant 0 : i32
      %dma_start3A_262 = tpu.memref_slice %arg2[%add3A, %dma_start3A_260, %dma_start3A_261] : memref<32x80x128xi32, #tpu.memory_space<hbm>> -> memref<1x80x128xi32, #tpu.memory_space<hbm>>
      %dma_start3A_263 = tpu.memref_squeeze %dma_start3A_262 : memref<1x80x128xi32, #tpu.memory_space<hbm>> -> memref<80x128xi32, #tpu.memory_space<hbm>>
      %dma_start3A_264 = arith.constant 0 : i32
      %dma_start3A_265 = arith.constant 0 : i32
      %dma_start3A_266 = tpu.memref_slice %arg2[%add3A, %dma_start3A_264, %dma_start3A_265] : memref<32x80x128xi32, #tpu.memory_space<hbm>> -> memref<1x80x128xi32, #tpu.memory_space<hbm>>
      %dma_start3A_267 = tpu.memref_squeeze %dma_start3A_266 : memref<1x80x128xi32, #tpu.memory_space<hbm>> -> memref<80x128xi32, #tpu.memory_space<hbm>>
      tpu.enqueue_dma source(%dma_start3A_267 : memref<80x128xi32, #tpu.memory_space<hbm>>) target(%arg5 : memref<80x128xi32, #tpu.memory_space<vmem>>) target_semaphore(%run_scoped3A : memref<!tpu.dma_semaphore, #tpu.memory_space<semaphore_mem>>)
      %dma_wait3A_268 = arith.constant 0 : i32
      %dma_wait3A_269 = arith.constant 0 : i32
      %dma_wait3A_270 = tpu.memref_slice %arg2[%add3A, %dma_wait3A_268, %dma_wait3A_269] : memref<32x80x128xi32, #tpu.memory_space<hbm>> -> memref<1x80x128xi32, #tpu.memory_space<hbm>>
      %dma_wait3A_271 = tpu.memref_squeeze %dma_wait3A_270 : memref<1x80x128xi32, #tpu.memory_space<hbm>> -> memref<80x128xi32, #tpu.memory_space<hbm>>
      %dma_wait3A_272 = arith.constant 0 : i32
      %dma_wait3A_273 = arith.constant 0 : i32
      %dma_wait3A_274 = tpu.memref_slice %arg2[%add3A, %dma_wait3A_272, %dma_wait3A_273] : memref<32x80x128xi32, #tpu.memory_space<hbm>> -> memref<1x80x128xi32, #tpu.memory_space<hbm>>
      %dma_wait3A_275 = tpu.memref_squeeze %dma_wait3A_274 : memref<1x80x128xi32, #tpu.memory_space<hbm>> -> memref<80x128xi32, #tpu.memory_space<hbm>>
      tpu.wait_dma2 semaphore(%run_scoped3A : memref<!tpu.dma_semaphore, #tpu.memory_space<semaphore_mem>>) src(%dma_wait3A_275 : memref<80x128xi32, #tpu.memory_space<hbm>>) dst(%arg5 : memref<80x128xi32, #tpu.memory_space<vmem>>)
      tpu.yield
    }) : () -> ()
    %scan3A = arith.constant 0 : i32
    %scan3A_3 = arith.constant 80 : i32
    %scan3A_4 = arith.addi %scan3A, %scan3A_3 : i32
    %scan3A_5 = arith.constant 1 : i32
    scf.for %scan3A_260 = %scan3A to %scan3A_4 step %scan3A_5  : i32 {
      %mul3A_261 = arith.constant 1 : i32
      %mul3A_262 = arith.muli %scan3A_260, %mul3A_261 : i32
      %add3A_263 = arith.constant 0 : i32
      %add3A_264 = arith.addi %add3A_263, %mul3A_262 : i32
      %get3A = arith.constant 0 : i32
      %get3A_265 = tpu.memref_slice %arg5[%add3A_264, %get3A] : memref<80x128xi32, #tpu.memory_space<vmem>> -> memref<1x128xi32, #tpu.memory_space<vmem>>
      %get3A_266 = tpu.memref_squeeze %get3A_265 : memref<1x128xi32, #tpu.memory_space<vmem>> -> memref<128xi32, #tpu.memory_space<vmem>>
      %get3A_267 = arith.constant 0 : index
      %get3A_268 = tpu.vector_load %get3A_266[%get3A_267] {strides = array<i32>} : memref<128xi32, #tpu.memory_space<vmem>>, vector<16xi32>,
      %get3A_269 = vector.shape_cast %get3A_268 : vector<16xi32> to vector<16xi32>
      %shift_right_arithmetic3A = arith.constant 15 : i32
      %shift_right_arithmetic3A_270 = vector.broadcast %shift_right_arithmetic3A : i32 to vector<16xi32>
      %shift_right_arithmetic3A_271 = arith.shrsi %get3A_269, %shift_right_arithmetic3A_270 : vector<16xi32>
      %shift_left3A = arith.constant 15 : i32
      %shift_left3A_272 = vector.broadcast %shift_left3A : i32 to vector<16xi32>
      %shift_left3A_273 = arith.shli %shift_right_arithmetic3A_271, %shift_left3A_272 : vector<16xi32>
      %and3A = arith.constant 16383 : i32
      %and3A_274 = vector.broadcast %and3A : i32 to vector<16xi32>
      %and3A_275 = arith.andi %get3A_269, %and3A_274 : vector<16xi32>
      %shift_left3A_276 = arith.constant 1 : i32
      %shift_left3A_277 = vector.broadcast %shift_left3A_276 : i32 to vector<16xi32>
      %shift_left3A_278 = arith.shli %and3A_275, %shift_left3A_277 : vector<16xi32>
      %shift_right_arithmetic3A_279 = arith.constant 14 : i32
      %shift_right_arithmetic3A_280 = vector.broadcast %shift_right_arithmetic3A_279 : i32 to vector<16xi32>
      %shift_right_arithmetic3A_281 = arith.shrsi %get3A_269, %shift_right_arithmetic3A_280 : vector<16xi32>
      %and3A_282 = arith.constant 1 : i32
      %and3A_283 = vector.broadcast %and3A_282 : i32 to vector<16xi32>
      %and3A_284 = arith.andi %shift_right_arithmetic3A_281, %and3A_283 : vector<16xi32>
      %add3A_285 = arith.addi %shift_left3A_273, %shift_left3A_278 : vector<16xi32>
      %add3A_286 = arith.addi %add3A_285, %and3A_284 : vector<16xi32>
      %swap3A = arith.constant 0 : i32
      %swap3A_287 = tpu.memref_slice %arg5[%add3A_264, %swap3A] : memref<80x128xi32, #tpu.memory_space<vmem>> -> memref<1x128xi32, #tpu.memory_space<vmem>>
      %swap3A_288 = tpu.memref_squeeze %swap3A_287 : memref<1x128xi32, #tpu.memory_space<vmem>> -> memref<128xi32, #tpu.memory_space<vmem>>
      %swap3A_289 = arith.constant 0 : index
      %swap3A_290 = tpu.vector_load %swap3A_288[%swap3A_289] {strides = array<i32>} : memref<128xi32, #tpu.memory_space<vmem>>, vector<16xi32>,
      %swap3A_291 = vector.shape_cast %swap3A_290 : vector<16xi32> to vector<16xi32>
      %swap3A_292 = vector.shape_cast %add3A_286 : vector<16xi32> to vector<16xi32>
      tpu.vector_store %swap3A_288[%swap3A_289], %swap3A_292 {strides = array<i32>} : memref<128xi32, #tpu.memory_space<vmem>>, vector<16xi32>,
      %get3A_293 = arith.constant 0 : i32
      %get3A_294 = tpu.memref_slice %arg5[%add3A_264, %get3A_293] : memref<80x128xi32, #tpu.memory_space<vmem>> -> memref<1x128xi32, #tpu.memory_space<vmem>>
      %get3A_295 = tpu.memref_squeeze %get3A_294 : memref<1x128xi32, #tpu.memory_space<vmem>> -> memref<128xi32, #tpu.memory_space<vmem>>
      %get3A_296 = arith.constant 16 : index
      %get3A_297 = tpu.vector_load %get3A_295[%get3A_296] {strides = array<i32>} : memref<128xi32, #tpu.memory_space<vmem>>, vector<16xi32>,
      %get3A_298 = vector.shape_cast %get3A_297 : vector<16xi32> to vector<16xi32>
      %shift_right_arithmetic3A_299 = arith.constant 15 : i32
      %shift_right_arithmetic3A_300 = vector.broadcast %shift_right_arithmetic3A_299 : i32 to vector<16xi32>
      %shift_right_arithmetic3A_301 = arith.shrsi %get3A_298, %shift_right_arithmetic3A_300 : vector<16xi32>
      %shift_left3A_302 = arith.constant 15 : i32
      %shift_left3A_303 = vector.broadcast %shift_left3A_302 : i32 to vector<16xi32>
      %shift_left3A_304 = arith.shli %shift_right_arithmetic3A_301, %shift_left3A_303 : vector<16xi32>
      %and3A_305 = arith.constant 16383 : i32
      %and3A_306 = vector.broadcast %and3A_305 : i32 to vector<16xi32>
      %and3A_307 = arith.andi %get3A_298, %and3A_306 : vector<16xi32>
      %shift_left3A_308 = arith.constant 1 : i32
      %shift_left3A_309 = vector.broadcast %shift_left3A_308 : i32 to vector<16xi32>
      %shift_left3A_310 = arith.shli %and3A_307, %shift_left3A_309 : vector<16xi32>
      %shift_right_arithmetic3A_311 = arith.constant 14 : i32
      %shift_right_arithmetic3A_312 = vector.broadcast %shift_right_arithmetic3A_311 : i32 to vector<16xi32>
      %shift_right_arithmetic3A_313 = arith.shrsi %get3A_298, %shift_right_arithmetic3A_312 : vector<16xi32>
      %and3A_314 = arith.constant 1 : i32
      %and3A_315 = vector.broadcast %and3A_314 : i32 to vector<16xi32>
      %and3A_316 = arith.andi %shift_right_arithmetic3A_313, %and3A_315 : vector<16xi32>
      %add3A_317 = arith.addi %shift_left3A_304, %shift_left3A_310 : vector<16xi32>
      %add3A_318 = arith.addi %add3A_317, %and3A_316 : vector<16xi32>
      %swap3A_319 = arith.constant 0 : i32
      %swap3A_320 = tpu.memref_slice %arg5[%add3A_264, %swap3A_319] : memref<80x128xi32, #tpu.memory_space<vmem>> -> memref<1x128xi32, #tpu.memory_space<vmem>>
      %swap3A_321 = tpu.memref_squeeze %swap3A_320 : memref<1x128xi32, #tpu.memory_space<vmem>> -> memref<128xi32, #tpu.memory_space<vmem>>
      %swap3A_322 = arith.constant 16 : index
      %swap3A_323 = tpu.vector_load %swap3A_321[%swap3A_322] {strides = array<i32>} : memref<128xi32, #tpu.memory_space<vmem>>, vector<16xi32>,
      %swap3A_324 = vector.shape_cast %swap3A_323 : vector<16xi32> to vector<16xi32>
      %swap3A_325 = vector.shape_cast %add3A_318 : vector<16xi32> to vector<16xi32>
      tpu.vector_store %swap3A_321[%swap3A_322], %swap3A_325 {strides = array<i32>} : memref<128xi32, #tpu.memory_space<vmem>>, vector<16xi32>,
      %get3A_326 = arith.constant 0 : i32
      %get3A_327 = tpu.memref_slice %arg5[%add3A_264, %get3A_326] : memref<80x128xi32, #tpu.memory_space<vmem>> -> memref<1x128xi32, #tpu.memory_space<vmem>>
      %get3A_328 = tpu.memref_squeeze %get3A_327 : memref<1x128xi32, #tpu.memory_space<vmem>> -> memref<128xi32, #tpu.memory_space<vmem>>
      %get3A_329 = arith.constant 32 : index
      %get3A_330 = tpu.vector_load %get3A_328[%get3A_329] {strides = array<i32>} : memref<128xi32, #tpu.memory_space<vmem>>, vector<16xi32>,
      %get3A_331 = vector.shape_cast %get3A_330 : vector<16xi32> to vector<16xi32>
      %shift_right_arithmetic3A_332 = arith.constant 15 : i32
      %shift_right_arithmetic3A_333 = vector.broadcast %shift_right_arithmetic3A_332 : i32 to vector<16xi32>
      %shift_right_arithmetic3A_334 = arith.shrsi %get3A_331, %shift_right_arithmetic3A_333 : vector<16xi32>
      %shift_left3A_335 = arith.constant 15 : i32
      %shift_left3A_336 = vector.broadcast %shift_left3A_335 : i32 to vector<16xi32>
      %shift_left3A_337 = arith.shli %shift_right_arithmetic3A_334, %shift_left3A_336 : vector<16xi32>
      %and3A_338 = arith.constant 16383 : i32
      %and3A_339 = vector.broadcast %and3A_338 : i32 to vector<16xi32>
      %and3A_340 = arith.andi %get3A_331, %and3A_339 : vector<16xi32>
      %shift_left3A_341 = arith.constant 1 : i32
      %shift_left3A_342 = vector.broadcast %shift_left3A_341 : i32 to vector<16xi32>
      %shift_left3A_343 = arith.shli %and3A_340, %shift_left3A_342 : vector<16xi32>
      %shift_right_arithmetic3A_344 = arith.constant 14 : i32
      %shift_right_arithmetic3A_345 = vector.broadcast %shift_right_arithmetic3A_344 : i32 to vector<16xi32>
      %shift_right_arithmetic3A_346 = arith.shrsi %get3A_331, %shift_right_arithmetic3A_345 : vector<16xi32>
      %and3A_347 = arith.constant 1 : i32
      %and3A_348 = vector.broadcast %and3A_347 : i32 to vector<16xi32>
      %and3A_349 = arith.andi %shift_right_arithmetic3A_346, %and3A_348 : vector<16xi32>
      %add3A_350 = arith.addi %shift_left3A_337, %shift_left3A_343 : vector<16xi32>
      %add3A_351 = arith.addi %add3A_350, %and3A_349 : vector<16xi32>
      %swap3A_352 = arith.constant 0 : i32
      %swap3A_353 = tpu.memref_slice %arg5[%add3A_264, %swap3A_352] : memref<80x128xi32, #tpu.memory_space<vmem>> -> memref<1x128xi32, #tpu.memory_space<vmem>>
      %swap3A_354 = tpu.memref_squeeze %swap3A_353 : memref<1x128xi32, #tpu.memory_space<vmem>> -> memref<128xi32, #tpu.memory_space<vmem>>
      %swap3A_355 = arith.constant 32 : index
      %swap3A_356 = tpu.vector_load %swap3A_354[%swap3A_355] {strides = array<i32>} : memref<128xi32, #tpu.memory_space<vmem>>, vector<16xi32>,
      %swap3A_357 = vector.shape_cast %swap3A_356 : vector<16xi32> to vector<16xi32>
      %swap3A_358 = vector.shape_cast %add3A_351 : vector<16xi32> to vector<16xi32>
      tpu.vector_store %swap3A_354[%swap3A_355], %swap3A_358 {strides = array<i32>} : memref<128xi32, #tpu.memory_space<vmem>>, vector<16xi32>,
      %get3A_359 = arith.constant 0 : i32
      %get3A_360 = tpu.memref_slice %arg5[%add3A_264, %get3A_359] : memref<80x128xi32, #tpu.memory_space<vmem>> -> memref<1x128xi32, #tpu.memory_space<vmem>>
      %get3A_361 = tpu.memref_squeeze %get3A_360 : memref<1x128xi32, #tpu.memory_space<vmem>> -> memref<128xi32, #tpu.memory_space<vmem>>
      %get3A_362 = arith.constant 48 : index
      %get3A_363 = tpu.vector_load %get3A_361[%get3A_362] {strides = array<i32>} : memref<128xi32, #tpu.memory_space<vmem>>, vector<16xi32>,
      %get3A_364 = vector.shape_cast %get3A_363 : vector<16xi32> to vector<16xi32>
      %shift_right_arithmetic3A_365 = arith.constant 15 : i32
      %shift_right_arithmetic3A_366 = vector.broadcast %shift_right_arithmetic3A_365 : i32 to vector<16xi32>
      %shift_right_arithmetic3A_367 = arith.shrsi %get3A_364, %shift_right_arithmetic3A_366 : vector<16xi32>
      %shift_left3A_368 = arith.constant 15 : i32
      %shift_left3A_369 = vector.broadcast %shift_left3A_368 : i32 to vector<16xi32>
      %shift_left3A_370 = arith.shli %shift_right_arithmetic3A_367, %shift_left3A_369 : vector<16xi32>
      %and3A_371 = arith.constant 16383 : i32
      %and3A_372 = vector.broadcast %and3A_371 : i32 to vector<16xi32>
      %and3A_373 = arith.andi %get3A_364, %and3A_372 : vector<16xi32>
      %shift_left3A_374 = arith.constant 1 : i32
      %shift_left3A_375 = vector.broadcast %shift_left3A_374 : i32 to vector<16xi32>
      %shift_left3A_376 = arith.shli %and3A_373, %shift_left3A_375 : vector<16xi32>
      %shift_right_arithmetic3A_377 = arith.constant 14 : i32
      %shift_right_arithmetic3A_378 = vector.broadcast %shift_right_arithmetic3A_377 : i32 to vector<16xi32>
      %shift_right_arithmetic3A_379 = arith.shrsi %get3A_364, %shift_right_arithmetic3A_378 : vector<16xi32>
      %and3A_380 = arith.constant 1 : i32
      %and3A_381 = vector.broadcast %and3A_380 : i32 to vector<16xi32>
      %and3A_382 = arith.andi %shift_right_arithmetic3A_379, %and3A_381 : vector<16xi32>
      %add3A_383 = arith.addi %shift_left3A_370, %shift_left3A_376 : vector<16xi32>
      %add3A_384 = arith.addi %add3A_383, %and3A_382 : vector<16xi32>
      %swap3A_385 = arith.constant 0 : i32
      %swap3A_386 = tpu.memref_slice %arg5[%add3A_264, %swap3A_385] : memref<80x128xi32, #tpu.memory_space<vmem>> -> memref<1x128xi32, #tpu.memory_space<vmem>>
      %swap3A_387 = tpu.memref_squeeze %swap3A_386 : memref<1x128xi32, #tpu.memory_space<vmem>> -> memref<128xi32, #tpu.memory_space<vmem>>
      %swap3A_388 = arith.constant 48 : index
      %swap3A_389 = tpu.vector_load %swap3A_387[%swap3A_388] {strides = array<i32>} : memref<128xi32, #tpu.memory_space<vmem>>, vector<16xi32>,
      %swap3A_390 = vector.shape_cast %swap3A_389 : vector<16xi32> to vector<16xi32>
      %swap3A_391 = vector.shape_cast %add3A_384 : vector<16xi32> to vector<16xi32>
      tpu.vector_store %swap3A_387[%swap3A_388], %swap3A_391 {strides = array<i32>} : memref<128xi32, #tpu.memory_space<vmem>>, vector<16xi32>,
      %get3A_392 = arith.constant 0 : i32
      %get3A_393 = tpu.memref_slice %arg5[%add3A_264, %get3A_392] : memref<80x128xi32, #tpu.memory_space<vmem>> -> memref<1x128xi32, #tpu.memory_space<vmem>>
      %get3A_394 = tpu.memref_squeeze %get3A_393 : memref<1x128xi32, #tpu.memory_space<vmem>> -> memref<128xi32, #tpu.memory_space<vmem>>
      %get3A_395 = arith.constant 64 : index
      %get3A_396 = tpu.vector_load %get3A_394[%get3A_395] {strides = array<i32>} : memref<128xi32, #tpu.memory_space<vmem>>, vector<16xi32>,
      %get3A_397 = vector.shape_cast %get3A_396 : vector<16xi32> to vector<16xi32>
      %shift_right_arithmetic3A_398 = arith.constant 15 : i32
      %shift_right_arithmetic3A_399 = vector.broadcast %shift_right_arithmetic3A_398 : i32 to vector<16xi32>
      %shift_right_arithmetic3A_400 = arith.shrsi %get3A_397, %shift_right_arithmetic3A_399 : vector<16xi32>
      %shift_left3A_401 = arith.constant 15 : i32
      %shift_left3A_402 = vector.broadcast %shift_left3A_401 : i32 to vector<16xi32>
      %shift_left3A_403 = arith.shli %shift_right_arithmetic3A_400, %shift_left3A_402 : vector<16xi32>
      %and3A_404 = arith.constant 16383 : i32
      %and3A_405 = vector.broadcast %and3A_404 : i32 to vector<16xi32>
      %and3A_406 = arith.andi %get3A_397, %and3A_405 : vector<16xi32>
      %shift_left3A_407 = arith.constant 1 : i32
      %shift_left3A_408 = vector.broadcast %shift_left3A_407 : i32 to vector<16xi32>
      %shift_left3A_409 = arith.shli %and3A_406, %shift_left3A_408 : vector<16xi32>
      %shift_right_arithmetic3A_410 = arith.constant 14 : i32
      %shift_right_arithmetic3A_411 = vector.broadcast %shift_right_arithmetic3A_410 : i32 to vector<16xi32>
      %shift_right_arithmetic3A_412 = arith.shrsi %get3A_397, %shift_right_arithmetic3A_411 : vector<16xi32>
      %and3A_413 = arith.constant 1 : i32
      %and3A_414 = vector.broadcast %and3A_413 : i32 to vector<16xi32>
      %and3A_415 = arith.andi %shift_right_arithmetic3A_412, %and3A_414 : vector<16xi32>
      %add3A_416 = arith.addi %shift_left3A_403, %shift_left3A_409 : vector<16xi32>
      %add3A_417 = arith.addi %add3A_416, %and3A_415 : vector<16xi32>
      %swap3A_418 = arith.constant 0 : i32
      %swap3A_419 = tpu.memref_slice %arg5[%add3A_264, %swap3A_418] : memref<80x128xi32, #tpu.memory_space<vmem>> -> memref<1x128xi32, #tpu.memory_space<vmem>>
      %swap3A_420 = tpu.memref_squeeze %swap3A_419 : memref<1x128xi32, #tpu.memory_space<vmem>> -> memref<128xi32, #tpu.memory_space<vmem>>
      %swap3A_421 = arith.constant 64 : index
      %swap3A_422 = tpu.vector_load %swap3A_420[%swap3A_421] {strides = array<i32>} : memref<128xi32, #tpu.memory_space<vmem>>, vector<16xi32>,
      %swap3A_423 = vector.shape_cast %swap3A_422 : vector<16xi32> to vector<16xi32>
      %swap3A_424 = vector.shape_cast %add3A_417 : vector<16xi32> to vector<16xi32>
      tpu.vector_store %swap3A_420[%swap3A_421], %swap3A_424 {strides = array<i32>} : memref<128xi32, #tpu.memory_space<vmem>>, vector<16xi32>,
      %get3A_425 = arith.constant 0 : i32
      %get3A_426 = tpu.memref_slice %arg5[%add3A_264, %get3A_425] : memref<80x128xi32, #tpu.memory_space<vmem>> -> memref<1x128xi32, #tpu.memory_space<vmem>>
      %get3A_427 = tpu.memref_squeeze %get3A_426 : memref<1x128xi32, #tpu.memory_space<vmem>> -> memref<128xi32, #tpu.memory_space<vmem>>
      %get3A_428 = arith.constant 80 : index
      %get3A_429 = tpu.vector_load %get3A_427[%get3A_428] {strides = array<i32>} : memref<128xi32, #tpu.memory_space<vmem>>, vector<16xi32>,
      %get3A_430 = vector.shape_cast %get3A_429 : vector<16xi32> to vector<16xi32>
      %shift_right_arithmetic3A_431 = arith.constant 15 : i32
      %shift_right_arithmetic3A_432 = vector.broadcast %shift_right_arithmetic3A_431 : i32 to vector<16xi32>
      %shift_right_arithmetic3A_433 = arith.shrsi %get3A_430, %shift_right_arithmetic3A_432 : vector<16xi32>
      %shift_left3A_434 = arith.constant 15 : i32
      %shift_left3A_435 = vector.broadcast %shift_left3A_434 : i32 to vector<16xi32>
      %shift_left3A_436 = arith.shli %shift_right_arithmetic3A_433, %shift_left3A_435 : vector<16xi32>
      %and3A_437 = arith.constant 16383 : i32
      %and3A_438 = vector.broadcast %and3A_437 : i32 to vector<16xi32>
      %and3A_439 = arith.andi %get3A_430, %and3A_438 : vector<16xi32>
      %shift_left3A_440 = arith.constant 1 : i32
      %shift_left3A_441 = vector.broadcast %shift_left3A_440 : i32 to vector<16xi32>
      %shift_left3A_442 = arith.shli %and3A_439, %shift_left3A_441 : vector<16xi32>
      %shift_right_arithmetic3A_443 = arith.constant 14 : i32
      %shift_right_arithmetic3A_444 = vector.broadcast %shift_right_arithmetic3A_443 : i32 to vector<16xi32>
      %shift_right_arithmetic3A_445 = arith.shrsi %get3A_430, %shift_right_arithmetic3A_444 : vector<16xi32>
      %and3A_446 = arith.constant 1 : i32
      %and3A_447 = vector.broadcast %and3A_446 : i32 to vector<16xi32>
      %and3A_448 = arith.andi %shift_right_arithmetic3A_445, %and3A_447 : vector<16xi32>
      %add3A_449 = arith.addi %shift_left3A_436, %shift_left3A_442 : vector<16xi32>
      %add3A_450 = arith.addi %add3A_449, %and3A_448 : vector<16xi32>
      %swap3A_451 = arith.constant 0 : i32
      %swap3A_452 = tpu.memref_slice %arg5[%add3A_264, %swap3A_451] : memref<80x128xi32, #tpu.memory_space<vmem>> -> memref<1x128xi32, #tpu.memory_space<vmem>>
      %swap3A_453 = tpu.memref_squeeze %swap3A_452 : memref<1x128xi32, #tpu.memory_space<vmem>> -> memref<128xi32, #tpu.memory_space<vmem>>
      %swap3A_454 = arith.constant 80 : index
      %swap3A_455 = tpu.vector_load %swap3A_453[%swap3A_454] {strides = array<i32>} : memref<128xi32, #tpu.memory_space<vmem>>, vector<16xi32>,
      %swap3A_456 = vector.shape_cast %swap3A_455 : vector<16xi32> to vector<16xi32>
      %swap3A_457 = vector.shape_cast %add3A_450 : vector<16xi32> to vector<16xi32>
      tpu.vector_store %swap3A_453[%swap3A_454], %swap3A_457 {strides = array<i32>} : memref<128xi32, #tpu.memory_space<vmem>>, vector<16xi32>,
      %get3A_458 = arith.constant 0 : i32
      %get3A_459 = tpu.memref_slice %arg5[%add3A_264, %get3A_458] : memref<80x128xi32, #tpu.memory_space<vmem>> -> memref<1x128xi32, #tpu.memory_space<vmem>>
      %get3A_460 = tpu.memref_squeeze %get3A_459 : memref<1x128xi32, #tpu.memory_space<vmem>> -> memref<128xi32, #tpu.memory_space<vmem>>
      %get3A_461 = arith.constant 96 : index
      %get3A_462 = tpu.vector_load %get3A_460[%get3A_461] {strides = array<i32>} : memref<128xi32, #tpu.memory_space<vmem>>, vector<16xi32>,
      %get3A_463 = vector.shape_cast %get3A_462 : vector<16xi32> to vector<16xi32>
      %shift_right_arithmetic3A_464 = arith.constant 15 : i32
      %shift_right_arithmetic3A_465 = vector.broadcast %shift_right_arithmetic3A_464 : i32 to vector<16xi32>
      %shift_right_arithmetic3A_466 = arith.shrsi %get3A_463, %shift_right_arithmetic3A_465 : vector<16xi32>
      %shift_left3A_467 = arith.constant 15 : i32
      %shift_left3A_468 = vector.broadcast %shift_left3A_467 : i32 to vector<16xi32>
      %shift_left3A_469 = arith.shli %shift_right_arithmetic3A_466, %shift_left3A_468 : vector<16xi32>
      %and3A_470 = arith.constant 16383 : i32
      %and3A_471 = vector.broadcast %and3A_470 : i32 to vector<16xi32>
      %and3A_472 = arith.andi %get3A_463, %and3A_471 : vector<16xi32>
      %shift_left3A_473 = arith.constant 1 : i32
      %shift_left3A_474 = vector.broadcast %shift_left3A_473 : i32 to vector<16xi32>
      %shift_left3A_475 = arith.shli %and3A_472, %shift_left3A_474 : vector<16xi32>
      %shift_right_arithmetic3A_476 = arith.constant 14 : i32
      %shift_right_arithmetic3A_477 = vector.broadcast %shift_right_arithmetic3A_476 : i32 to vector<16xi32>
      %shift_right_arithmetic3A_478 = arith.shrsi %get3A_463, %shift_right_arithmetic3A_477 : vector<16xi32>
      %and3A_479 = arith.constant 1 : i32
      %and3A_480 = vector.broadcast %and3A_479 : i32 to vector<16xi32>
      %and3A_481 = arith.andi %shift_right_arithmetic3A_478, %and3A_480 : vector<16xi32>
      %add3A_482 = arith.addi %shift_left3A_469, %shift_left3A_475 : vector<16xi32>
      %add3A_483 = arith.addi %add3A_482, %and3A_481 : vector<16xi32>
      %swap3A_484 = arith.constant 0 : i32
      %swap3A_485 = tpu.memref_slice %arg5[%add3A_264, %swap3A_484] : memref<80x128xi32, #tpu.memory_space<vmem>> -> memref<1x128xi32, #tpu.memory_space<vmem>>
      %swap3A_486 = tpu.memref_squeeze %swap3A_485 : memref<1x128xi32, #tpu.memory_space<vmem>> -> memref<128xi32, #tpu.memory_space<vmem>>
      %swap3A_487 = arith.constant 96 : index
      %swap3A_488 = tpu.vector_load %swap3A_486[%swap3A_487] {strides = array<i32>} : memref<128xi32, #tpu.memory_space<vmem>>, vector<16xi32>,
      %swap3A_489 = vector.shape_cast %swap3A_488 : vector<16xi32> to vector<16xi32>
      %swap3A_490 = vector.shape_cast %add3A_483 : vector<16xi32> to vector<16xi32>
      tpu.vector_store %swap3A_486[%swap3A_487], %swap3A_490 {strides = array<i32>} : memref<128xi32, #tpu.memory_space<vmem>>, vector<16xi32>,
      %get3A_491 = arith.constant 0 : i32
      %get3A_492 = tpu.memref_slice %arg5[%add3A_264, %get3A_491] : memref<80x128xi32, #tpu.memory_space<vmem>> -> memref<1x128xi32, #tpu.memory_space<vmem>>
      %get3A_493 = tpu.memref_squeeze %get3A_492 : memref<1x128xi32, #tpu.memory_space<vmem>> -> memref<128xi32, #tpu.memory_space<vmem>>
      %get3A_494 = arith.constant 112 : index
      %get3A_495 = tpu.vector_load %get3A_493[%get3A_494] {strides = array<i32>} : memref<128xi32, #tpu.memory_space<vmem>>, vector<16xi32>,
      %get3A_496 = vector.shape_cast %get3A_495 : vector<16xi32> to vector<16xi32>
      %shift_right_arithmetic3A_497 = arith.constant 15 : i32
      %shift_right_arithmetic3A_498 = vector.broadcast %shift_right_arithmetic3A_497 : i32 to vector<16xi32>
      %shift_right_arithmetic3A_499 = arith.shrsi %get3A_496, %shift_right_arithmetic3A_498 : vector<16xi32>
      %shift_left3A_500 = arith.constant 15 : i32
      %shift_left3A_501 = vector.broadcast %shift_left3A_500 : i32 to vector<16xi32>
      %shift_left3A_502 = arith.shli %shift_right_arithmetic3A_499, %shift_left3A_501 : vector<16xi32>
      %and3A_503 = arith.constant 16383 : i32
      %and3A_504 = vector.broadcast %and3A_503 : i32 to vector<16xi32>
      %and3A_505 = arith.andi %get3A_496, %and3A_504 : vector<16xi32>
      %shift_left3A_506 = arith.constant 1 : i32
      %shift_left3A_507 = vector.broadcast %shift_left3A_506 : i32 to vector<16xi32>
      %shift_left3A_508 = arith.shli %and3A_505, %shift_left3A_507 : vector<16xi32>
      %shift_right_arithmetic3A_509 = arith.constant 14 : i32
      %shift_right_arithmetic3A_510 = vector.broadcast %shift_right_arithmetic3A_509 : i32 to vector<16xi32>
      %shift_right_arithmetic3A_511 = arith.shrsi %get3A_496, %shift_right_arithmetic3A_510 : vector<16xi32>
      %and3A_512 = arith.constant 1 : i32
      %and3A_513 = vector.broadcast %and3A_512 : i32 to vector<16xi32>
      %and3A_514 = arith.andi %shift_right_arithmetic3A_511, %and3A_513 : vector<16xi32>
      %add3A_515 = arith.addi %shift_left3A_502, %shift_left3A_508 : vector<16xi32>
      %add3A_516 = arith.addi %add3A_515, %and3A_514 : vector<16xi32>
      %swap3A_517 = arith.constant 0 : i32
      %swap3A_518 = tpu.memref_slice %arg5[%add3A_264, %swap3A_517] : memref<80x128xi32, #tpu.memory_space<vmem>> -> memref<1x128xi32, #tpu.memory_space<vmem>>
      %swap3A_519 = tpu.memref_squeeze %swap3A_518 : memref<1x128xi32, #tpu.memory_space<vmem>> -> memref<128xi32, #tpu.memory_space<vmem>>
      %swap3A_520 = arith.constant 112 : index
      %swap3A_521 = tpu.vector_load %swap3A_519[%swap3A_520] {strides = array<i32>} : memref<128xi32, #tpu.memory_space<vmem>>, vector<16xi32>,
      %swap3A_522 = vector.shape_cast %swap3A_521 : vector<16xi32> to vector<16xi32>
      %swap3A_523 = vector.shape_cast %add3A_516 : vector<16xi32> to vector<16xi32>
      tpu.vector_store %swap3A_519[%swap3A_520], %swap3A_523 {strides = array<i32>} : memref<128xi32, #tpu.memory_space<vmem>>, vector<16xi32>,
    }
    %scan3A_6 = arith.constant 80 : i32
    %dma_start3A = arith.constant 0 : i32
    %dma_start3A_7 = arith.constant 0 : i32
    %dma_start3A_8 = arith.constant 0 : i32
    %dma_start3A_9 = arith.constant 0 : i32
    %dma_start3A_10 = tpu.memref_slice %arg6[%dma_start3A_7, %dma_start3A_8, %dma_start3A_9] : memref<10x128x64xf32, #tpu.memory_space<vmem>> -> memref<1x128x64xf32, #tpu.memory_space<vmem>>
    %dma_start3A_11 = tpu.memref_squeeze %dma_start3A_10 : memref<1x128x64xf32, #tpu.memory_space<vmem>> -> memref<128x64xf32, #tpu.memory_space<vmem>>
    %dma_start3A_12 = arith.constant 0 : i32
    %dma_start3A_13 = tpu.memref_slice %arg5[%dma_start3A, %dma_start3A_12] : memref<80x128xi32, #tpu.memory_space<vmem>> -> memref<1x128xi32, #tpu.memory_space<vmem>>
    %dma_start3A_14 = tpu.memref_squeeze %dma_start3A_13 : memref<1x128xi32, #tpu.memory_space<vmem>> -> memref<128xi32, #tpu.memory_space<vmem>>
    %dma_start3A_15 = arith.constant 0 : i32
    %dma_start3A_16 = arith.constant 0 : i32
    %dma_start3A_17 = tpu.memref_slice %arg3[%dma_start3A_15, %dma_start3A_16] : memref<1015808x64xf32, #tpu.memory_space<hbm>> -> memref<1015808x64xf32, #tpu.memory_space<hbm>>
    tpu.enqueue_indirect_dma source(%dma_start3A_17 : memref<1015808x64xf32, #tpu.memory_space<hbm>>) target(%dma_start3A_11 : memref<128x64xf32, #tpu.memory_space<vmem>>) offsets(%dma_start3A_14 : memref<128xi32, #tpu.memory_space<vmem>>) semaphore(%arg7 : memref<!tpu.dma_semaphore, #tpu.memory_space<semaphore_mem>>)
    %dma_start3A_18 = arith.constant 1 : i32
    %dma_start3A_19 = arith.constant 1 : i32
    %dma_start3A_20 = arith.constant 0 : i32
    %dma_start3A_21 = arith.constant 0 : i32
    %dma_start3A_22 = tpu.memref_slice %arg6[%dma_start3A_19, %dma_start3A_20, %dma_start3A_21] : memref<10x128x64xf32, #tpu.memory_space<vmem>> -> memref<1x128x64xf32, #tpu.memory_space<vmem>>
    %dma_start3A_23 = tpu.memref_squeeze %dma_start3A_22 : memref<1x128x64xf32, #tpu.memory_space<vmem>> -> memref<128x64xf32, #tpu.memory_space<vmem>>
    %dma_start3A_24 = arith.constant 0 : i32
    %dma_start3A_25 = tpu.memref_slice %arg5[%dma_start3A_18, %dma_start3A_24] : memref<80x128xi32, #tpu.memory_space<vmem>> -> memref<1x128xi32, #tpu.memory_space<vmem>>
    %dma_start3A_26 = tpu.memref_squeeze %dma_start3A_25 : memref<1x128xi32, #tpu.memory_space<vmem>> -> memref<128xi32, #tpu.memory_space<vmem>>
    %dma_start3A_27 = arith.constant 0 : i32
    %dma_start3A_28 = arith.constant 0 : i32
    %dma_start3A_29 = tpu.memref_slice %arg3[%dma_start3A_27, %dma_start3A_28] : memref<1015808x64xf32, #tpu.memory_space<hbm>> -> memref<1015808x64xf32, #tpu.memory_space<hbm>>
    tpu.enqueue_indirect_dma source(%dma_start3A_29 : memref<1015808x64xf32, #tpu.memory_space<hbm>>) target(%dma_start3A_23 : memref<128x64xf32, #tpu.memory_space<vmem>>) offsets(%dma_start3A_26 : memref<128xi32, #tpu.memory_space<vmem>>) semaphore(%arg7 : memref<!tpu.dma_semaphore, #tpu.memory_space<semaphore_mem>>)
    %dma_start3A_30 = arith.constant 2 : i32
    %dma_start3A_31 = arith.constant 2 : i32
    %dma_start3A_32 = arith.constant 0 : i32
    %dma_start3A_33 = arith.constant 0 : i32
    %dma_start3A_34 = tpu.memref_slice %arg6[%dma_start3A_31, %dma_start3A_32, %dma_start3A_33] : memref<10x128x64xf32, #tpu.memory_space<vmem>> -> memref<1x128x64xf32, #tpu.memory_space<vmem>>
    %dma_start3A_35 = tpu.memref_squeeze %dma_start3A_34 : memref<1x128x64xf32, #tpu.memory_space<vmem>> -> memref<128x64xf32, #tpu.memory_space<vmem>>
    %dma_start3A_36 = arith.constant 0 : i32
    %dma_start3A_37 = tpu.memref_slice %arg5[%dma_start3A_30, %dma_start3A_36] : memref<80x128xi32, #tpu.memory_space<vmem>> -> memref<1x128xi32, #tpu.memory_space<vmem>>
    %dma_start3A_38 = tpu.memref_squeeze %dma_start3A_37 : memref<1x128xi32, #tpu.memory_space<vmem>> -> memref<128xi32, #tpu.memory_space<vmem>>
    %dma_start3A_39 = arith.constant 0 : i32
    %dma_start3A_40 = arith.constant 0 : i32
    %dma_start3A_41 = tpu.memref_slice %arg3[%dma_start3A_39, %dma_start3A_40] : memref<1015808x64xf32, #tpu.memory_space<hbm>> -> memref<1015808x64xf32, #tpu.memory_space<hbm>>
    tpu.enqueue_indirect_dma source(%dma_start3A_41 : memref<1015808x64xf32, #tpu.memory_space<hbm>>) target(%dma_start3A_35 : memref<128x64xf32, #tpu.memory_space<vmem>>) offsets(%dma_start3A_38 : memref<128xi32, #tpu.memory_space<vmem>>) semaphore(%arg7 : memref<!tpu.dma_semaphore, #tpu.memory_space<semaphore_mem>>)
    %dma_start3A_42 = arith.constant 3 : i32
    %dma_start3A_43 = arith.constant 3 : i32
    %dma_start3A_44 = arith.constant 0 : i32
    %dma_start3A_45 = arith.constant 0 : i32
    %dma_start3A_46 = tpu.memref_slice %arg6[%dma_start3A_43, %dma_start3A_44, %dma_start3A_45] : memref<10x128x64xf32, #tpu.memory_space<vmem>> -> memref<1x128x64xf32, #tpu.memory_space<vmem>>
    %dma_start3A_47 = tpu.memref_squeeze %dma_start3A_46 : memref<1x128x64xf32, #tpu.memory_space<vmem>> -> memref<128x64xf32, #tpu.memory_space<vmem>>
    %dma_start3A_48 = arith.constant 0 : i32
    %dma_start3A_49 = tpu.memref_slice %arg5[%dma_start3A_42, %dma_start3A_48] : memref<80x128xi32, #tpu.memory_space<vmem>> -> memref<1x128xi32, #tpu.memory_space<vmem>>
    %dma_start3A_50 = tpu.memref_squeeze %dma_start3A_49 : memref<1x128xi32, #tpu.memory_space<vmem>> -> memref<128xi32, #tpu.memory_space<vmem>>
    %dma_start3A_51 = arith.constant 0 : i32
    %dma_start3A_52 = arith.constant 0 : i32
    %dma_start3A_53 = tpu.memref_slice %arg3[%dma_start3A_51, %dma_start3A_52] : memref<1015808x64xf32, #tpu.memory_space<hbm>> -> memref<1015808x64xf32, #tpu.memory_space<hbm>>
    tpu.enqueue_indirect_dma source(%dma_start3A_53 : memref<1015808x64xf32, #tpu.memory_space<hbm>>) target(%dma_start3A_47 : memref<128x64xf32, #tpu.memory_space<vmem>>) offsets(%dma_start3A_50 : memref<128xi32, #tpu.memory_space<vmem>>) semaphore(%arg7 : memref<!tpu.dma_semaphore, #tpu.memory_space<semaphore_mem>>)
    %dma_start3A_54 = arith.constant 4 : i32
    %dma_start3A_55 = arith.constant 4 : i32
    %dma_start3A_56 = arith.constant 0 : i32
    %dma_start3A_57 = arith.constant 0 : i32
    %dma_start3A_58 = tpu.memref_slice %arg6[%dma_start3A_55, %dma_start3A_56, %dma_start3A_57] : memref<10x128x64xf32, #tpu.memory_space<vmem>> -> memref<1x128x64xf32, #tpu.memory_space<vmem>>
    %dma_start3A_59 = tpu.memref_squeeze %dma_start3A_58 : memref<1x128x64xf32, #tpu.memory_space<vmem>> -> memref<128x64xf32, #tpu.memory_space<vmem>>
    %dma_start3A_60 = arith.constant 0 : i32
    %dma_start3A_61 = tpu.memref_slice %arg5[%dma_start3A_54, %dma_start3A_60] : memref<80x128xi32, #tpu.memory_space<vmem>> -> memref<1x128xi32, #tpu.memory_space<vmem>>
    %dma_start3A_62 = tpu.memref_squeeze %dma_start3A_61 : memref<1x128xi32, #tpu.memory_space<vmem>> -> memref<128xi32, #tpu.memory_space<vmem>>
    %dma_start3A_63 = arith.constant 0 : i32
    %dma_start3A_64 = arith.constant 0 : i32
    %dma_start3A_65 = tpu.memref_slice %arg3[%dma_start3A_63, %dma_start3A_64] : memref<1015808x64xf32, #tpu.memory_space<hbm>> -> memref<1015808x64xf32, #tpu.memory_space<hbm>>
    tpu.enqueue_indirect_dma source(%dma_start3A_65 : memref<1015808x64xf32, #tpu.memory_space<hbm>>) target(%dma_start3A_59 : memref<128x64xf32, #tpu.memory_space<vmem>>) offsets(%dma_start3A_62 : memref<128xi32, #tpu.memory_space<vmem>>) semaphore(%arg7 : memref<!tpu.dma_semaphore, #tpu.memory_space<semaphore_mem>>)
    %dma_start3A_66 = arith.constant 5 : i32
    %dma_start3A_67 = arith.constant 5 : i32
    %dma_start3A_68 = arith.constant 0 : i32
    %dma_start3A_69 = arith.constant 0 : i32
    %dma_start3A_70 = tpu.memref_slice %arg6[%dma_start3A_67, %dma_start3A_68, %dma_start3A_69] : memref<10x128x64xf32, #tpu.memory_space<vmem>> -> memref<1x128x64xf32, #tpu.memory_space<vmem>>
    %dma_start3A_71 = tpu.memref_squeeze %dma_start3A_70 : memref<1x128x64xf32, #tpu.memory_space<vmem>> -> memref<128x64xf32, #tpu.memory_space<vmem>>
    %dma_start3A_72 = arith.constant 0 : i32
    %dma_start3A_73 = tpu.memref_slice %arg5[%dma_start3A_66, %dma_start3A_72] : memref<80x128xi32, #tpu.memory_space<vmem>> -> memref<1x128xi32, #tpu.memory_space<vmem>>
    %dma_start3A_74 = tpu.memref_squeeze %dma_start3A_73 : memref<1x128xi32, #tpu.memory_space<vmem>> -> memref<128xi32, #tpu.memory_space<vmem>>
    %dma_start3A_75 = arith.constant 0 : i32
    %dma_start3A_76 = arith.constant 0 : i32
    %dma_start3A_77 = tpu.memref_slice %arg3[%dma_start3A_75, %dma_start3A_76] : memref<1015808x64xf32, #tpu.memory_space<hbm>> -> memref<1015808x64xf32, #tpu.memory_space<hbm>>
    tpu.enqueue_indirect_dma source(%dma_start3A_77 : memref<1015808x64xf32, #tpu.memory_space<hbm>>) target(%dma_start3A_71 : memref<128x64xf32, #tpu.memory_space<vmem>>) offsets(%dma_start3A_74 : memref<128xi32, #tpu.memory_space<vmem>>) semaphore(%arg7 : memref<!tpu.dma_semaphore, #tpu.memory_space<semaphore_mem>>)
    %dma_start3A_78 = arith.constant 6 : i32
    %dma_start3A_79 = arith.constant 6 : i32
    %dma_start3A_80 = arith.constant 0 : i32
    %dma_start3A_81 = arith.constant 0 : i32
    %dma_start3A_82 = tpu.memref_slice %arg6[%dma_start3A_79, %dma_start3A_80, %dma_start3A_81] : memref<10x128x64xf32, #tpu.memory_space<vmem>> -> memref<1x128x64xf32, #tpu.memory_space<vmem>>
    %dma_start3A_83 = tpu.memref_squeeze %dma_start3A_82 : memref<1x128x64xf32, #tpu.memory_space<vmem>> -> memref<128x64xf32, #tpu.memory_space<vmem>>
    %dma_start3A_84 = arith.constant 0 : i32
    %dma_start3A_85 = tpu.memref_slice %arg5[%dma_start3A_78, %dma_start3A_84] : memref<80x128xi32, #tpu.memory_space<vmem>> -> memref<1x128xi32, #tpu.memory_space<vmem>>
    %dma_start3A_86 = tpu.memref_squeeze %dma_start3A_85 : memref<1x128xi32, #tpu.memory_space<vmem>> -> memref<128xi32, #tpu.memory_space<vmem>>
    %dma_start3A_87 = arith.constant 0 : i32
    %dma_start3A_88 = arith.constant 0 : i32
    %dma_start3A_89 = tpu.memref_slice %arg3[%dma_start3A_87, %dma_start3A_88] : memref<1015808x64xf32, #tpu.memory_space<hbm>> -> memref<1015808x64xf32, #tpu.memory_space<hbm>>
    tpu.enqueue_indirect_dma source(%dma_start3A_89 : memref<1015808x64xf32, #tpu.memory_space<hbm>>) target(%dma_start3A_83 : memref<128x64xf32, #tpu.memory_space<vmem>>) offsets(%dma_start3A_86 : memref<128xi32, #tpu.memory_space<vmem>>) semaphore(%arg7 : memref<!tpu.dma_semaphore, #tpu.memory_space<semaphore_mem>>)
    %dma_start3A_90 = arith.constant 7 : i32
    %dma_start3A_91 = arith.constant 7 : i32
    %dma_start3A_92 = arith.constant 0 : i32
    %dma_start3A_93 = arith.constant 0 : i32
    %dma_start3A_94 = tpu.memref_slice %arg6[%dma_start3A_91, %dma_start3A_92, %dma_start3A_93] : memref<10x128x64xf32, #tpu.memory_space<vmem>> -> memref<1x128x64xf32, #tpu.memory_space<vmem>>
    %dma_start3A_95 = tpu.memref_squeeze %dma_start3A_94 : memref<1x128x64xf32, #tpu.memory_space<vmem>> -> memref<128x64xf32, #tpu.memory_space<vmem>>
    %dma_start3A_96 = arith.constant 0 : i32
    %dma_start3A_97 = tpu.memref_slice %arg5[%dma_start3A_90, %dma_start3A_96] : memref<80x128xi32, #tpu.memory_space<vmem>> -> memref<1x128xi32, #tpu.memory_space<vmem>>
    %dma_start3A_98 = tpu.memref_squeeze %dma_start3A_97 : memref<1x128xi32, #tpu.memory_space<vmem>> -> memref<128xi32, #tpu.memory_space<vmem>>
    %dma_start3A_99 = arith.constant 0 : i32
    %dma_start3A_100 = arith.constant 0 : i32
    %dma_start3A_101 = tpu.memref_slice %arg3[%dma_start3A_99, %dma_start3A_100] : memref<1015808x64xf32, #tpu.memory_space<hbm>> -> memref<1015808x64xf32, #tpu.memory_space<hbm>>
    tpu.enqueue_indirect_dma source(%dma_start3A_101 : memref<1015808x64xf32, #tpu.memory_space<hbm>>) target(%dma_start3A_95 : memref<128x64xf32, #tpu.memory_space<vmem>>) offsets(%dma_start3A_98 : memref<128xi32, #tpu.memory_space<vmem>>) semaphore(%arg7 : memref<!tpu.dma_semaphore, #tpu.memory_space<semaphore_mem>>)
    %dma_start3A_102 = arith.constant 8 : i32
    %dma_start3A_103 = arith.constant 8 : i32
    %dma_start3A_104 = arith.constant 0 : i32
    %dma_start3A_105 = arith.constant 0 : i32
    %dma_start3A_106 = tpu.memref_slice %arg6[%dma_start3A_103, %dma_start3A_104, %dma_start3A_105] : memref<10x128x64xf32, #tpu.memory_space<vmem>> -> memref<1x128x64xf32, #tpu.memory_space<vmem>>
    %dma_start3A_107 = tpu.memref_squeeze %dma_start3A_106 : memref<1x128x64xf32, #tpu.memory_space<vmem>> -> memref<128x64xf32, #tpu.memory_space<vmem>>
    %dma_start3A_108 = arith.constant 0 : i32
    %dma_start3A_109 = tpu.memref_slice %arg5[%dma_start3A_102, %dma_start3A_108] : memref<80x128xi32, #tpu.memory_space<vmem>> -> memref<1x128xi32, #tpu.memory_space<vmem>>
    %dma_start3A_110 = tpu.memref_squeeze %dma_start3A_109 : memref<1x128xi32, #tpu.memory_space<vmem>> -> memref<128xi32, #tpu.memory_space<vmem>>
    %dma_start3A_111 = arith.constant 0 : i32
    %dma_start3A_112 = arith.constant 0 : i32
    %dma_start3A_113 = tpu.memref_slice %arg3[%dma_start3A_111, %dma_start3A_112] : memref<1015808x64xf32, #tpu.memory_space<hbm>> -> memref<1015808x64xf32, #tpu.memory_space<hbm>>
    tpu.enqueue_indirect_dma source(%dma_start3A_113 : memref<1015808x64xf32, #tpu.memory_space<hbm>>) target(%dma_start3A_107 : memref<128x64xf32, #tpu.memory_space<vmem>>) offsets(%dma_start3A_110 : memref<128xi32, #tpu.memory_space<vmem>>) semaphore(%arg7 : memref<!tpu.dma_semaphore, #tpu.memory_space<semaphore_mem>>)
    %dma_start3A_114 = arith.constant 9 : i32
    %dma_start3A_115 = arith.constant 9 : i32
    %dma_start3A_116 = arith.constant 0 : i32
    %dma_start3A_117 = arith.constant 0 : i32
    %dma_start3A_118 = tpu.memref_slice %arg6[%dma_start3A_115, %dma_start3A_116, %dma_start3A_117] : memref<10x128x64xf32, #tpu.memory_space<vmem>> -> memref<1x128x64xf32, #tpu.memory_space<vmem>>
    %dma_start3A_119 = tpu.memref_squeeze %dma_start3A_118 : memref<1x128x64xf32, #tpu.memory_space<vmem>> -> memref<128x64xf32, #tpu.memory_space<vmem>>
    %dma_start3A_120 = arith.constant 0 : i32
    %dma_start3A_121 = tpu.memref_slice %arg5[%dma_start3A_114, %dma_start3A_120] : memref<80x128xi32, #tpu.memory_space<vmem>> -> memref<1x128xi32, #tpu.memory_space<vmem>>
    %dma_start3A_122 = tpu.memref_squeeze %dma_start3A_121 : memref<1x128xi32, #tpu.memory_space<vmem>> -> memref<128xi32, #tpu.memory_space<vmem>>
    %dma_start3A_123 = arith.constant 0 : i32
    %dma_start3A_124 = arith.constant 0 : i32
    %dma_start3A_125 = tpu.memref_slice %arg3[%dma_start3A_123, %dma_start3A_124] : memref<1015808x64xf32, #tpu.memory_space<hbm>> -> memref<1015808x64xf32, #tpu.memory_space<hbm>>
    tpu.enqueue_indirect_dma source(%dma_start3A_125 : memref<1015808x64xf32, #tpu.memory_space<hbm>>) target(%dma_start3A_119 : memref<128x64xf32, #tpu.memory_space<vmem>>) offsets(%dma_start3A_122 : memref<128xi32, #tpu.memory_space<vmem>>) semaphore(%arg7 : memref<!tpu.dma_semaphore, #tpu.memory_space<semaphore_mem>>)
    %scan3A_126 = arith.constant 0 : i32
    %scan3A_127 = arith.constant 8 : i32
    %scan3A_128 = arith.addi %scan3A_126, %scan3A_127 : i32
    %scan3A_129 = arith.constant 1 : i32
    scf.for %scan3A_260 = %scan3A_126 to %scan3A_128 step %scan3A_129  : i32 {
      %mul3A_261 = arith.constant 1 : i32
      %mul3A_262 = arith.muli %scan3A_260, %mul3A_261 : i32
      %add3A_263 = arith.constant 0 : i32
      %add3A_264 = arith.addi %add3A_263, %mul3A_262 : i32
      %mul3A_265 = arith.constant 10 : i32
      %mul3A_266 = arith.muli %add3A_264, %mul3A_265 : i32
      %add3A_267 = arith.constant 0 : i32
      %add3A_268 = arith.addi %mul3A_266, %add3A_267 : i32
      %dma_wait3A_269 = arith.constant 0 : i32
      %dma_wait3A_270 = arith.constant 0 : i32
      %dma_wait3A_271 = arith.constant 0 : i32
      %dma_wait3A_272 = arith.constant 0 : i32
      %dma_wait3A_273 = tpu.memref_slice %arg6[%dma_wait3A_270, %dma_wait3A_271, %dma_wait3A_272] : memref<10x128x64xf32, #tpu.memory_space<vmem>> -> memref<1x128x64xf32, #tpu.memory_space<vmem>>
      %dma_wait3A_274 = tpu.memref_squeeze %dma_wait3A_273 : memref<1x128x64xf32, #tpu.memory_space<vmem>> -> memref<128x64xf32, #tpu.memory_space<vmem>>
      %dma_wait3A_275 = arith.constant 0 : i32
      %dma_wait3A_276 = tpu.memref_slice %arg5[%dma_wait3A_269, %dma_wait3A_275] : memref<80x128xi32, #tpu.memory_space<vmem>> -> memref<1x128xi32, #tpu.memory_space<vmem>>
      %dma_wait3A_277 = tpu.memref_squeeze %dma_wait3A_276 : memref<1x128xi32, #tpu.memory_space<vmem>> -> memref<128xi32, #tpu.memory_space<vmem>>
      %dma_wait3A_278 = arith.constant 0 : i32
      %dma_wait3A_279 = arith.constant 0 : i32
      %dma_wait3A_280 = tpu.memref_slice %arg3[%dma_wait3A_278, %dma_wait3A_279] : memref<1015808x64xf32, #tpu.memory_space<hbm>> -> memref<1015808x64xf32, #tpu.memory_space<hbm>>
      tpu.wait_indirect_dma semaphore(%arg7 : memref<!tpu.dma_semaphore, #tpu.memory_space<semaphore_mem>>) src(%dma_wait3A_280 : memref<1015808x64xf32, #tpu.memory_space<hbm>>) dst(%dma_wait3A_274 : memref<128x64xf32, #tpu.memory_space<vmem>>)
      %mul3A_281 = arith.constant 128 : i32
      %mul3A_282 = arith.muli %add3A_268, %mul3A_281 : i32
      %add3A_283 = arith.addi %mul3A_2, %mul3A_282 : i32
      %dma_start3A_284 = arith.constant 0 : i32
      %dma_start3A_285 = arith.constant 0 : i32
      %dma_start3A_286 = arith.constant 0 : i32
      %dma_start3A_287 = tpu.memref_slice %arg6[%dma_start3A_284, %dma_start3A_285, %dma_start3A_286] : memref<10x128x64xf32, #tpu.memory_space<vmem>> -> memref<1x128x64xf32, #tpu.memory_space<vmem>>
      %dma_start3A_288 = tpu.memref_squeeze %dma_start3A_287 : memref<1x128x64xf32, #tpu.memory_space<vmem>> -> memref<128x64xf32, #tpu.memory_space<vmem>>
      %dma_start3A_289 = arith.constant 0 : i32
      %dma_start3A_290 = tpu.memref_slice %arg4[%add3A_283, %dma_start3A_289] : memref<327680x64xf32, #tpu.memory_space<hbm>> -> memref<128x64xf32, #tpu.memory_space<hbm>>
      %dma_start3A_291 = arith.constant 0 : i32
      %dma_start3A_292 = tpu.memref_slice %arg4[%add3A_283, %dma_start3A_291] : memref<327680x64xf32, #tpu.memory_space<hbm>> -> memref<128x64xf32, #tpu.memory_space<hbm>>
      %dma_start3A_293 = arith.constant 0 : i32
      %dma_start3A_294 = arith.constant 0 : i32
      %dma_start3A_295 = tpu.memref_slice %arg6[%dma_start3A_284, %dma_start3A_293, %dma_start3A_294] : memref<10x128x64xf32, #tpu.memory_space<vmem>> -> memref<1x128x64xf32, #tpu.memory_space<vmem>>
      %dma_start3A_296 = tpu.memref_squeeze %dma_start3A_295 : memref<1x128x64xf32, #tpu.memory_space<vmem>> -> memref<128x64xf32, #tpu.memory_space<vmem>>
      tpu.enqueue_dma source(%dma_start3A_296 : memref<128x64xf32, #tpu.memory_space<vmem>>) target(%dma_start3A_292 : memref<128x64xf32, #tpu.memory_space<hbm>>) target_semaphore(%arg8 : memref<!tpu.dma_semaphore, #tpu.memory_space<semaphore_mem>>)
      %ge3A = arith.constant 2 : i32
      %ge3A_297 = arith.cmpi sge, %add3A_268, %ge3A : i32
      %lt3A = arith.constant 72 : i32
      %lt3A_298 = arith.cmpi slt, %add3A_268, %lt3A : i32
      %and3A = arith.andi %ge3A_297, %lt3A_298 : i1
      %convert_element_type3A = arith.extui %and3A : i1 to i32
      %cond3A = arith.constant 0 : i32
      %cond3A_299 = arith.cmpi ne, %convert_element_type3A, %cond3A : i32
      scf.if %cond3A_299 {
        %dma_wait3A_660 = arith.constant 0 : i32
        %dma_wait3A_661 = arith.constant 0 : i32
        %dma_wait3A_662 = arith.constant 0 : i32
        %dma_wait3A_663 = tpu.memref_slice %arg6[%dma_wait3A_660, %dma_wait3A_661, %dma_wait3A_662] : memref<10x128x64xf32, #tpu.memory_space<vmem>> -> memref<1x128x64xf32, #tpu.memory_space<vmem>>
        %dma_wait3A_664 = tpu.memref_squeeze %dma_wait3A_663 : memref<1x128x64xf32, #tpu.memory_space<vmem>> -> memref<128x64xf32, #tpu.memory_space<vmem>>
        %dma_wait3A_665 = arith.constant 0 : i32
        %dma_wait3A_666 = tpu.memref_slice %arg4[%mul3A_2, %dma_wait3A_665] : memref<327680x64xf32, #tpu.memory_space<hbm>> -> memref<128x64xf32, #tpu.memory_space<hbm>>
        %dma_wait3A_667 = arith.constant 0 : i32
        %dma_wait3A_668 = tpu.memref_slice %arg4[%mul3A_2, %dma_wait3A_667] : memref<327680x64xf32, #tpu.memory_space<hbm>> -> memref<128x64xf32, #tpu.memory_space<hbm>>
        %dma_wait3A_669 = arith.constant 0 : i32
        %dma_wait3A_670 = arith.constant 0 : i32
        %dma_wait3A_671 = tpu.memref_slice %arg6[%dma_wait3A_660, %dma_wait3A_669, %dma_wait3A_670] : memref<10x128x64xf32, #tpu.memory_space<vmem>> -> memref<1x128x64xf32, #tpu.memory_space<vmem>>
        %dma_wait3A_672 = tpu.memref_squeeze %dma_wait3A_671 : memref<1x128x64xf32, #tpu.memory_space<vmem>> -> memref<128x64xf32, #tpu.memory_space<vmem>>
        tpu.wait_dma2 semaphore(%arg8 : memref<!tpu.dma_semaphore, #tpu.memory_space<semaphore_mem>>) src(%dma_wait3A_672 : memref<128x64xf32, #tpu.memory_space<vmem>>) dst(%dma_wait3A_668 : memref<128x64xf32, #tpu.memory_space<hbm>>)
        %add3A_673 = arith.constant 10 : i32
        %add3A_674 = arith.addi %add3A_268, %add3A_673 : i32
        %sub3A = arith.constant 2 : i32
        %sub3A_675 = arith.subi %add3A_674, %sub3A : i32
        %dma_start3A_676 = arith.constant 8 : i32
        %dma_start3A_677 = arith.constant 0 : i32
        %dma_start3A_678 = arith.constant 0 : i32
        %dma_start3A_679 = tpu.memref_slice %arg6[%dma_start3A_676, %dma_start3A_677, %dma_start3A_678] : memref<10x128x64xf32, #tpu.memory_space<vmem>> -> memref<1x128x64xf32, #tpu.memory_space<vmem>>
        %dma_start3A_680 = tpu.memref_squeeze %dma_start3A_679 : memref<1x128x64xf32, #tpu.memory_space<vmem>> -> memref<128x64xf32, #tpu.memory_space<vmem>>
        %dma_start3A_681 = arith.constant 0 : i32
        %dma_start3A_682 = tpu.memref_slice %arg5[%sub3A_675, %dma_start3A_681] : memref<80x128xi32, #tpu.memory_space<vmem>> -> memref<1x128xi32, #tpu.memory_space<vmem>>
        %dma_start3A_683 = tpu.memref_squeeze %dma_start3A_682 : memref<1x128xi32, #tpu.memory_space<vmem>> -> memref<128xi32, #tpu.memory_space<vmem>>
        %dma_start3A_684 = arith.constant 0 : i32
        %dma_start3A_685 = arith.constant 0 : i32
        %dma_start3A_686 = tpu.memref_slice %arg3[%dma_start3A_684, %dma_start3A_685] : memref<1015808x64xf32, #tpu.memory_space<hbm>> -> memref<1015808x64xf32, #tpu.memory_space<hbm>>
        tpu.enqueue_indirect_dma source(%dma_start3A_686 : memref<1015808x64xf32, #tpu.memory_space<hbm>>) target(%dma_start3A_680 : memref<128x64xf32, #tpu.memory_space<vmem>>) offsets(%dma_start3A_683 : memref<128xi32, #tpu.memory_space<vmem>>) semaphore(%arg7 : memref<!tpu.dma_semaphore, #tpu.memory_space<semaphore_mem>>)
      } else {
      }
      %mul3A_300 = arith.constant 10 : i32
      %mul3A_301 = arith.muli %add3A_264, %mul3A_300 : i32
      %add3A_302 = arith.constant 1 : i32
      %add3A_303 = arith.addi %mul3A_301, %add3A_302 : i32
      %dma_wait3A_304 = arith.constant 0 : i32
      %dma_wait3A_305 = arith.constant 1 : i32
      %dma_wait3A_306 = arith.constant 0 : i32
      %dma_wait3A_307 = arith.constant 0 : i32
      %dma_wait3A_308 = tpu.memref_slice %arg6[%dma_wait3A_305, %dma_wait3A_306, %dma_wait3A_307] : memref<10x128x64xf32, #tpu.memory_space<vmem>> -> memref<1x128x64xf32, #tpu.memory_space<vmem>>
      %dma_wait3A_309 = tpu.memref_squeeze %dma_wait3A_308 : memref<1x128x64xf32, #tpu.memory_space<vmem>> -> memref<128x64xf32, #tpu.memory_space<vmem>>
      %dma_wait3A_310 = arith.constant 0 : i32
      %dma_wait3A_311 = tpu.memref_slice %arg5[%dma_wait3A_304, %dma_wait3A_310] : memref<80x128xi32, #tpu.memory_space<vmem>> -> memref<1x128xi32, #tpu.memory_space<vmem>>
      %dma_wait3A_312 = tpu.memref_squeeze %dma_wait3A_311 : memref<1x128xi32, #tpu.memory_space<vmem>> -> memref<128xi32, #tpu.memory_space<vmem>>
      %dma_wait3A_313 = arith.constant 0 : i32
      %dma_wait3A_314 = arith.constant 0 : i32
      %dma_wait3A_315 = tpu.memref_slice %arg3[%dma_wait3A_313, %dma_wait3A_314] : memref<1015808x64xf32, #tpu.memory_space<hbm>> -> memref<1015808x64xf32, #tpu.memory_space<hbm>>
      tpu.wait_indirect_dma semaphore(%arg7 : memref<!tpu.dma_semaphore, #tpu.memory_space<semaphore_mem>>) src(%dma_wait3A_315 : memref<1015808x64xf32, #tpu.memory_space<hbm>>) dst(%dma_wait3A_309 : memref<128x64xf32, #tpu.memory_space<vmem>>)
      %mul3A_316 = arith.constant 128 : i32
      %mul3A_317 = arith.muli %add3A_303, %mul3A_316 : i32
      %add3A_318 = arith.addi %mul3A_2, %mul3A_317 : i32
      %dma_start3A_319 = arith.constant 1 : i32
      %dma_start3A_320 = arith.constant 0 : i32
      %dma_start3A_321 = arith.constant 0 : i32
      %dma_start3A_322 = tpu.memref_slice %arg6[%dma_start3A_319, %dma_start3A_320, %dma_start3A_321] : memref<10x128x64xf32, #tpu.memory_space<vmem>> -> memref<1x128x64xf32, #tpu.memory_space<vmem>>
      %dma_start3A_323 = tpu.memref_squeeze %dma_start3A_322 : memref<1x128x64xf32, #tpu.memory_space<vmem>> -> memref<128x64xf32, #tpu.memory_space<vmem>>
      %dma_start3A_324 = arith.constant 0 : i32
      %dma_start3A_325 = tpu.memref_slice %arg4[%add3A_318, %dma_start3A_324] : memref<327680x64xf32, #tpu.memory_space<hbm>> -> memref<128x64xf32, #tpu.memory_space<hbm>>
      %dma_start3A_326 = arith.constant 0 : i32
      %dma_start3A_327 = tpu.memref_slice %arg4[%add3A_318, %dma_start3A_326] : memref<327680x64xf32, #tpu.memory_space<hbm>> -> memref<128x64xf32, #tpu.memory_space<hbm>>
      %dma_start3A_328 = arith.constant 0 : i32
      %dma_start3A_329 = arith.constant 0 : i32
      %dma_start3A_330 = tpu.memref_slice %arg6[%dma_start3A_319, %dma_start3A_328, %dma_start3A_329] : memref<10x128x64xf32, #tpu.memory_space<vmem>> -> memref<1x128x64xf32, #tpu.memory_space<vmem>>
      %dma_start3A_331 = tpu.memref_squeeze %dma_start3A_330 : memref<1x128x64xf32, #tpu.memory_space<vmem>> -> memref<128x64xf32, #tpu.memory_space<vmem>>
      tpu.enqueue_dma source(%dma_start3A_331 : memref<128x64xf32, #tpu.memory_space<vmem>>) target(%dma_start3A_327 : memref<128x64xf32, #tpu.memory_space<hbm>>) target_semaphore(%arg8 : memref<!tpu.dma_semaphore, #tpu.memory_space<semaphore_mem>>)
      %ge3A_332 = arith.constant 2 : i32
      %ge3A_333 = arith.cmpi sge, %add3A_303, %ge3A_332 : i32
      %lt3A_334 = arith.constant 72 : i32
      %lt3A_335 = arith.cmpi slt, %add3A_303, %lt3A_334 : i32
      %and3A_336 = arith.andi %ge3A_333, %lt3A_335 : i1
      %convert_element_type3A_337 = arith.extui %and3A_336 : i1 to i32
      %cond3A_338 = arith.constant 0 : i32
      %cond3A_339 = arith.cmpi ne, %convert_element_type3A_337, %cond3A_338 : i32
      scf.if %cond3A_339 {
        %dma_wait3A_660 = arith.constant 0 : i32
        %dma_wait3A_661 = arith.constant 0 : i32
        %dma_wait3A_662 = arith.constant 0 : i32
        %dma_wait3A_663 = tpu.memref_slice %arg6[%dma_wait3A_660, %dma_wait3A_661, %dma_wait3A_662] : memref<10x128x64xf32, #tpu.memory_space<vmem>> -> memref<1x128x64xf32, #tpu.memory_space<vmem>>
        %dma_wait3A_664 = tpu.memref_squeeze %dma_wait3A_663 : memref<1x128x64xf32, #tpu.memory_space<vmem>> -> memref<128x64xf32, #tpu.memory_space<vmem>>
        %dma_wait3A_665 = arith.constant 0 : i32
        %dma_wait3A_666 = tpu.memref_slice %arg4[%mul3A_2, %dma_wait3A_665] : memref<327680x64xf32, #tpu.memory_space<hbm>> -> memref<128x64xf32, #tpu.memory_space<hbm>>
        %dma_wait3A_667 = arith.constant 0 : i32
        %dma_wait3A_668 = tpu.memref_slice %arg4[%mul3A_2, %dma_wait3A_667] : memref<327680x64xf32, #tpu.memory_space<hbm>> -> memref<128x64xf32, #tpu.memory_space<hbm>>
        %dma_wait3A_669 = arith.constant 0 : i32
        %dma_wait3A_670 = arith.constant 0 : i32
        %dma_wait3A_671 = tpu.memref_slice %arg6[%dma_wait3A_660, %dma_wait3A_669, %dma_wait3A_670] : memref<10x128x64xf32, #tpu.memory_space<vmem>> -> memref<1x128x64xf32, #tpu.memory_space<vmem>>
        %dma_wait3A_672 = tpu.memref_squeeze %dma_wait3A_671 : memref<1x128x64xf32, #tpu.memory_space<vmem>> -> memref<128x64xf32, #tpu.memory_space<vmem>>
        tpu.wait_dma2 semaphore(%arg8 : memref<!tpu.dma_semaphore, #tpu.memory_space<semaphore_mem>>) src(%dma_wait3A_672 : memref<128x64xf32, #tpu.memory_space<vmem>>) dst(%dma_wait3A_668 : memref<128x64xf32, #tpu.memory_space<hbm>>)
        %add3A_673 = arith.constant 10 : i32
        %add3A_674 = arith.addi %add3A_303, %add3A_673 : i32
        %sub3A = arith.constant 2 : i32
        %sub3A_675 = arith.subi %add3A_674, %sub3A : i32
        %dma_start3A_676 = arith.constant 9 : i32
        %dma_start3A_677 = arith.constant 0 : i32
        %dma_start3A_678 = arith.constant 0 : i32
        %dma_start3A_679 = tpu.memref_slice %arg6[%dma_start3A_676, %dma_start3A_677, %dma_start3A_678] : memref<10x128x64xf32, #tpu.memory_space<vmem>> -> memref<1x128x64xf32, #tpu.memory_space<vmem>>
        %dma_start3A_680 = tpu.memref_squeeze %dma_start3A_679 : memref<1x128x64xf32, #tpu.memory_space<vmem>> -> memref<128x64xf32, #tpu.memory_space<vmem>>
        %dma_start3A_681 = arith.constant 0 : i32
        %dma_start3A_682 = tpu.memref_slice %arg5[%sub3A_675, %dma_start3A_681] : memref<80x128xi32, #tpu.memory_space<vmem>> -> memref<1x128xi32, #tpu.memory_space<vmem>>
        %dma_start3A_683 = tpu.memref_squeeze %dma_start3A_682 : memref<1x128xi32, #tpu.memory_space<vmem>> -> memref<128xi32, #tpu.memory_space<vmem>>
        %dma_start3A_684 = arith.constant 0 : i32
        %dma_start3A_685 = arith.constant 0 : i32
        %dma_start3A_686 = tpu.memref_slice %arg3[%dma_start3A_684, %dma_start3A_685] : memref<1015808x64xf32, #tpu.memory_space<hbm>> -> memref<1015808x64xf32, #tpu.memory_space<hbm>>
        tpu.enqueue_indirect_dma source(%dma_start3A_686 : memref<1015808x64xf32, #tpu.memory_space<hbm>>) target(%dma_start3A_680 : memref<128x64xf32, #tpu.memory_space<vmem>>) offsets(%dma_start3A_683 : memref<128xi32, #tpu.memory_space<vmem>>) semaphore(%arg7 : memref<!tpu.dma_semaphore, #tpu.memory_space<semaphore_mem>>)
      } else {
      }
      %mul3A_340 = arith.constant 10 : i32
      %mul3A_341 = arith.muli %add3A_264, %mul3A_340 : i32
      %add3A_342 = arith.constant 2 : i32
      %add3A_343 = arith.addi %mul3A_341, %add3A_342 : i32
      %dma_wait3A_344 = arith.constant 0 : i32
      %dma_wait3A_345 = arith.constant 2 : i32
      %dma_wait3A_346 = arith.constant 0 : i32
      %dma_wait3A_347 = arith.constant 0 : i32
      %dma_wait3A_348 = tpu.memref_slice %arg6[%dma_wait3A_345, %dma_wait3A_346, %dma_wait3A_347] : memref<10x128x64xf32, #tpu.memory_space<vmem>> -> memref<1x128x64xf32, #tpu.memory_space<vmem>>
      %dma_wait3A_349 = tpu.memref_squeeze %dma_wait3A_348 : memref<1x128x64xf32, #tpu.memory_space<vmem>> -> memref<128x64xf32, #tpu.memory_space<vmem>>
      %dma_wait3A_350 = arith.constant 0 : i32
      %dma_wait3A_351 = tpu.memref_slice %arg5[%dma_wait3A_344, %dma_wait3A_350] : memref<80x128xi32, #tpu.memory_space<vmem>> -> memref<1x128xi32, #tpu.memory_space<vmem>>
      %dma_wait3A_352 = tpu.memref_squeeze %dma_wait3A_351 : memref<1x128xi32, #tpu.memory_space<vmem>> -> memref<128xi32, #tpu.memory_space<vmem>>
      %dma_wait3A_353 = arith.constant 0 : i32
      %dma_wait3A_354 = arith.constant 0 : i32
      %dma_wait3A_355 = tpu.memref_slice %arg3[%dma_wait3A_353, %dma_wait3A_354] : memref<1015808x64xf32, #tpu.memory_space<hbm>> -> memref<1015808x64xf32, #tpu.memory_space<hbm>>
      tpu.wait_indirect_dma semaphore(%arg7 : memref<!tpu.dma_semaphore, #tpu.memory_space<semaphore_mem>>) src(%dma_wait3A_355 : memref<1015808x64xf32, #tpu.memory_space<hbm>>) dst(%dma_wait3A_349 : memref<128x64xf32, #tpu.memory_space<vmem>>)
      %mul3A_356 = arith.constant 128 : i32
      %mul3A_357 = arith.muli %add3A_343, %mul3A_356 : i32
      %add3A_358 = arith.addi %mul3A_2, %mul3A_357 : i32
      %dma_start3A_359 = arith.constant 2 : i32
      %dma_start3A_360 = arith.constant 0 : i32
      %dma_start3A_361 = arith.constant 0 : i32
      %dma_start3A_362 = tpu.memref_slice %arg6[%dma_start3A_359, %dma_start3A_360, %dma_start3A_361] : memref<10x128x64xf32, #tpu.memory_space<vmem>> -> memref<1x128x64xf32, #tpu.memory_space<vmem>>
      %dma_start3A_363 = tpu.memref_squeeze %dma_start3A_362 : memref<1x128x64xf32, #tpu.memory_space<vmem>> -> memref<128x64xf32, #tpu.memory_space<vmem>>
      %dma_start3A_364 = arith.constant 0 : i32
      %dma_start3A_365 = tpu.memref_slice %arg4[%add3A_358, %dma_start3A_364] : memref<327680x64xf32, #tpu.memory_space<hbm>> -> memref<128x64xf32, #tpu.memory_space<hbm>>
      %dma_start3A_366 = arith.constant 0 : i32
      %dma_start3A_367 = tpu.memref_slice %arg4[%add3A_358, %dma_start3A_366] : memref<327680x64xf32, #tpu.memory_space<hbm>> -> memref<128x64xf32, #tpu.memory_space<hbm>>
      %dma_start3A_368 = arith.constant 0 : i32
      %dma_start3A_369 = arith.constant 0 : i32
      %dma_start3A_370 = tpu.memref_slice %arg6[%dma_start3A_359, %dma_start3A_368, %dma_start3A_369] : memref<10x128x64xf32, #tpu.memory_space<vmem>> -> memref<1x128x64xf32, #tpu.memory_space<vmem>>
      %dma_start3A_371 = tpu.memref_squeeze %dma_start3A_370 : memref<1x128x64xf32, #tpu.memory_space<vmem>> -> memref<128x64xf32, #tpu.memory_space<vmem>>
      tpu.enqueue_dma source(%dma_start3A_371 : memref<128x64xf32, #tpu.memory_space<vmem>>) target(%dma_start3A_367 : memref<128x64xf32, #tpu.memory_space<hbm>>) target_semaphore(%arg8 : memref<!tpu.dma_semaphore, #tpu.memory_space<semaphore_mem>>)
      %ge3A_372 = arith.constant 2 : i32
      %ge3A_373 = arith.cmpi sge, %add3A_343, %ge3A_372 : i32
      %lt3A_374 = arith.constant 72 : i32
      %lt3A_375 = arith.cmpi slt, %add3A_343, %lt3A_374 : i32
      %and3A_376 = arith.andi %ge3A_373, %lt3A_375 : i1
      %convert_element_type3A_377 = arith.extui %and3A_376 : i1 to i32
      %cond3A_378 = arith.constant 0 : i32
      %cond3A_379 = arith.cmpi ne, %convert_element_type3A_377, %cond3A_378 : i32
      scf.if %cond3A_379 {
        %dma_wait3A_660 = arith.constant 0 : i32
        %dma_wait3A_661 = arith.constant 0 : i32
        %dma_wait3A_662 = arith.constant 0 : i32
        %dma_wait3A_663 = tpu.memref_slice %arg6[%dma_wait3A_660, %dma_wait3A_661, %dma_wait3A_662] : memref<10x128x64xf32, #tpu.memory_space<vmem>> -> memref<1x128x64xf32, #tpu.memory_space<vmem>>
        %dma_wait3A_664 = tpu.memref_squeeze %dma_wait3A_663 : memref<1x128x64xf32, #tpu.memory_space<vmem>> -> memref<128x64xf32, #tpu.memory_space<vmem>>
        %dma_wait3A_665 = arith.constant 0 : i32
        %dma_wait3A_666 = tpu.memref_slice %arg4[%mul3A_2, %dma_wait3A_665] : memref<327680x64xf32, #tpu.memory_space<hbm>> -> memref<128x64xf32, #tpu.memory_space<hbm>>
        %dma_wait3A_667 = arith.constant 0 : i32
        %dma_wait3A_668 = tpu.memref_slice %arg4[%mul3A_2, %dma_wait3A_667] : memref<327680x64xf32, #tpu.memory_space<hbm>> -> memref<128x64xf32, #tpu.memory_space<hbm>>
        %dma_wait3A_669 = arith.constant 0 : i32
        %dma_wait3A_670 = arith.constant 0 : i32
        %dma_wait3A_671 = tpu.memref_slice %arg6[%dma_wait3A_660, %dma_wait3A_669, %dma_wait3A_670] : memref<10x128x64xf32, #tpu.memory_space<vmem>> -> memref<1x128x64xf32, #tpu.memory_space<vmem>>
        %dma_wait3A_672 = tpu.memref_squeeze %dma_wait3A_671 : memref<1x128x64xf32, #tpu.memory_space<vmem>> -> memref<128x64xf32, #tpu.memory_space<vmem>>
        tpu.wait_dma2 semaphore(%arg8 : memref<!tpu.dma_semaphore, #tpu.memory_space<semaphore_mem>>) src(%dma_wait3A_672 : memref<128x64xf32, #tpu.memory_space<vmem>>) dst(%dma_wait3A_668 : memref<128x64xf32, #tpu.memory_space<hbm>>)
        %add3A_673 = arith.constant 10 : i32
        %add3A_674 = arith.addi %add3A_343, %add3A_673 : i32
        %sub3A = arith.constant 2 : i32
        %sub3A_675 = arith.subi %add3A_674, %sub3A : i32
        %dma_start3A_676 = arith.constant 0 : i32
        %dma_start3A_677 = arith.constant 0 : i32
        %dma_start3A_678 = arith.constant 0 : i32
        %dma_start3A_679 = tpu.memref_slice %arg6[%dma_start3A_676, %dma_start3A_677, %dma_start3A_678] : memref<10x128x64xf32, #tpu.memory_space<vmem>> -> memref<1x128x64xf32, #tpu.memory_space<vmem>>
        %dma_start3A_680 = tpu.memref_squeeze %dma_start3A_679 : memref<1x128x64xf32, #tpu.memory_space<vmem>> -> memref<128x64xf32, #tpu.memory_space<vmem>>
        %dma_start3A_681 = arith.constant 0 : i32
        %dma_start3A_682 = tpu.memref_slice %arg5[%sub3A_675, %dma_start3A_681] : memref<80x128xi32, #tpu.memory_space<vmem>> -> memref<1x128xi32, #tpu.memory_space<vmem>>
        %dma_start3A_683 = tpu.memref_squeeze %dma_start3A_682 : memref<1x128xi32, #tpu.memory_space<vmem>> -> memref<128xi32, #tpu.memory_space<vmem>>
        %dma_start3A_684 = arith.constant 0 : i32
        %dma_start3A_685 = arith.constant 0 : i32
        %dma_start3A_686 = tpu.memref_slice %arg3[%dma_start3A_684, %dma_start3A_685] : memref<1015808x64xf32, #tpu.memory_space<hbm>> -> memref<1015808x64xf32, #tpu.memory_space<hbm>>
        tpu.enqueue_indirect_dma source(%dma_start3A_686 : memref<1015808x64xf32, #tpu.memory_space<hbm>>) target(%dma_start3A_680 : memref<128x64xf32, #tpu.memory_space<vmem>>) offsets(%dma_start3A_683 : memref<128xi32, #tpu.memory_space<vmem>>) semaphore(%arg7 : memref<!tpu.dma_semaphore, #tpu.memory_space<semaphore_mem>>)
      } else {
      }
      %mul3A_380 = arith.constant 10 : i32
      %mul3A_381 = arith.muli %add3A_264, %mul3A_380 : i32
      %add3A_382 = arith.constant 3 : i32
      %add3A_383 = arith.addi %mul3A_381, %add3A_382 : i32
      %dma_wait3A_384 = arith.constant 0 : i32
      %dma_wait3A_385 = arith.constant 3 : i32
      %dma_wait3A_386 = arith.constant 0 : i32
      %dma_wait3A_387 = arith.constant 0 : i32
      %dma_wait3A_388 = tpu.memref_slice %arg6[%dma_wait3A_385, %dma_wait3A_386, %dma_wait3A_387] : memref<10x128x64xf32, #tpu.memory_space<vmem>> -> memref<1x128x64xf32, #tpu.memory_space<vmem>>
      %dma_wait3A_389 = tpu.memref_squeeze %dma_wait3A_388 : memref<1x128x64xf32, #tpu.memory_space<vmem>> -> memref<128x64xf32, #tpu.memory_space<vmem>>
      %dma_wait3A_390 = arith.constant 0 : i32
      %dma_wait3A_391 = tpu.memref_slice %arg5[%dma_wait3A_384, %dma_wait3A_390] : memref<80x128xi32, #tpu.memory_space<vmem>> -> memref<1x128xi32, #tpu.memory_space<vmem>>
      %dma_wait3A_392 = tpu.memref_squeeze %dma_wait3A_391 : memref<1x128xi32, #tpu.memory_space<vmem>> -> memref<128xi32, #tpu.memory_space<vmem>>
      %dma_wait3A_393 = arith.constant 0 : i32
      %dma_wait3A_394 = arith.constant 0 : i32
      %dma_wait3A_395 = tpu.memref_slice %arg3[%dma_wait3A_393, %dma_wait3A_394] : memref<1015808x64xf32, #tpu.memory_space<hbm>> -> memref<1015808x64xf32, #tpu.memory_space<hbm>>
      tpu.wait_indirect_dma semaphore(%arg7 : memref<!tpu.dma_semaphore, #tpu.memory_space<semaphore_mem>>) src(%dma_wait3A_395 : memref<1015808x64xf32, #tpu.memory_space<hbm>>) dst(%dma_wait3A_389 : memref<128x64xf32, #tpu.memory_space<vmem>>)
      %mul3A_396 = arith.constant 128 : i32
      %mul3A_397 = arith.muli %add3A_383, %mul3A_396 : i32
      %add3A_398 = arith.addi %mul3A_2, %mul3A_397 : i32
      %dma_start3A_399 = arith.constant 3 : i32
      %dma_start3A_400 = arith.constant 0 : i32
      %dma_start3A_401 = arith.constant 0 : i32
      %dma_start3A_402 = tpu.memref_slice %arg6[%dma_start3A_399, %dma_start3A_400, %dma_start3A_401] : memref<10x128x64xf32, #tpu.memory_space<vmem>> -> memref<1x128x64xf32, #tpu.memory_space<vmem>>
      %dma_start3A_403 = tpu.memref_squeeze %dma_start3A_402 : memref<1x128x64xf32, #tpu.memory_space<vmem>> -> memref<128x64xf32, #tpu.memory_space<vmem>>
      %dma_start3A_404 = arith.constant 0 : i32
      %dma_start3A_405 = tpu.memref_slice %arg4[%add3A_398, %dma_start3A_404] : memref<327680x64xf32, #tpu.memory_space<hbm>> -> memref<128x64xf32, #tpu.memory_space<hbm>>
      %dma_start3A_406 = arith.constant 0 : i32
      %dma_start3A_407 = tpu.memref_slice %arg4[%add3A_398, %dma_start3A_406] : memref<327680x64xf32, #tpu.memory_space<hbm>> -> memref<128x64xf32, #tpu.memory_space<hbm>>
      %dma_start3A_408 = arith.constant 0 : i32
      %dma_start3A_409 = arith.constant 0 : i32
      %dma_start3A_410 = tpu.memref_slice %arg6[%dma_start3A_399, %dma_start3A_408, %dma_start3A_409] : memref<10x128x64xf32, #tpu.memory_space<vmem>> -> memref<1x128x64xf32, #tpu.memory_space<vmem>>
      %dma_start3A_411 = tpu.memref_squeeze %dma_start3A_410 : memref<1x128x64xf32, #tpu.memory_space<vmem>> -> memref<128x64xf32, #tpu.memory_space<vmem>>
      tpu.enqueue_dma source(%dma_start3A_411 : memref<128x64xf32, #tpu.memory_space<vmem>>) target(%dma_start3A_407 : memref<128x64xf32, #tpu.memory_space<hbm>>) target_semaphore(%arg8 : memref<!tpu.dma_semaphore, #tpu.memory_space<semaphore_mem>>)
      %ge3A_412 = arith.constant 2 : i32
      %ge3A_413 = arith.cmpi sge, %add3A_383, %ge3A_412 : i32
      %lt3A_414 = arith.constant 72 : i32
      %lt3A_415 = arith.cmpi slt, %add3A_383, %lt3A_414 : i32
      %and3A_416 = arith.andi %ge3A_413, %lt3A_415 : i1
      %convert_element_type3A_417 = arith.extui %and3A_416 : i1 to i32
      %cond3A_418 = arith.constant 0 : i32
      %cond3A_419 = arith.cmpi ne, %convert_element_type3A_417, %cond3A_418 : i32
      scf.if %cond3A_419 {
        %dma_wait3A_660 = arith.constant 0 : i32
        %dma_wait3A_661 = arith.constant 0 : i32
        %dma_wait3A_662 = arith.constant 0 : i32
        %dma_wait3A_663 = tpu.memref_slice %arg6[%dma_wait3A_660, %dma_wait3A_661, %dma_wait3A_662] : memref<10x128x64xf32, #tpu.memory_space<vmem>> -> memref<1x128x64xf32, #tpu.memory_space<vmem>>
        %dma_wait3A_664 = tpu.memref_squeeze %dma_wait3A_663 : memref<1x128x64xf32, #tpu.memory_space<vmem>> -> memref<128x64xf32, #tpu.memory_space<vmem>>
        %dma_wait3A_665 = arith.constant 0 : i32
        %dma_wait3A_666 = tpu.memref_slice %arg4[%mul3A_2, %dma_wait3A_665] : memref<327680x64xf32, #tpu.memory_space<hbm>> -> memref<128x64xf32, #tpu.memory_space<hbm>>
        %dma_wait3A_667 = arith.constant 0 : i32
        %dma_wait3A_668 = tpu.memref_slice %arg4[%mul3A_2, %dma_wait3A_667] : memref<327680x64xf32, #tpu.memory_space<hbm>> -> memref<128x64xf32, #tpu.memory_space<hbm>>
        %dma_wait3A_669 = arith.constant 0 : i32
        %dma_wait3A_670 = arith.constant 0 : i32
        %dma_wait3A_671 = tpu.memref_slice %arg6[%dma_wait3A_660, %dma_wait3A_669, %dma_wait3A_670] : memref<10x128x64xf32, #tpu.memory_space<vmem>> -> memref<1x128x64xf32, #tpu.memory_space<vmem>>
        %dma_wait3A_672 = tpu.memref_squeeze %dma_wait3A_671 : memref<1x128x64xf32, #tpu.memory_space<vmem>> -> memref<128x64xf32, #tpu.memory_space<vmem>>
        tpu.wait_dma2 semaphore(%arg8 : memref<!tpu.dma_semaphore, #tpu.memory_space<semaphore_mem>>) src(%dma_wait3A_672 : memref<128x64xf32, #tpu.memory_space<vmem>>) dst(%dma_wait3A_668 : memref<128x64xf32, #tpu.memory_space<hbm>>)
        %add3A_673 = arith.constant 10 : i32
        %add3A_674 = arith.addi %add3A_383, %add3A_673 : i32
        %sub3A = arith.constant 2 : i32
        %sub3A_675 = arith.subi %add3A_674, %sub3A : i32
        %dma_start3A_676 = arith.constant 1 : i32
        %dma_start3A_677 = arith.constant 0 : i32
        %dma_start3A_678 = arith.constant 0 : i32
        %dma_start3A_679 = tpu.memref_slice %arg6[%dma_start3A_676, %dma_start3A_677, %dma_start3A_678] : memref<10x128x64xf32, #tpu.memory_space<vmem>> -> memref<1x128x64xf32, #tpu.memory_space<vmem>>
        %dma_start3A_680 = tpu.memref_squeeze %dma_start3A_679 : memref<1x128x64xf32, #tpu.memory_space<vmem>> -> memref<128x64xf32, #tpu.memory_space<vmem>>
        %dma_start3A_681 = arith.constant 0 : i32
        %dma_start3A_682 = tpu.memref_slice %arg5[%sub3A_675, %dma_start3A_681] : memref<80x128xi32, #tpu.memory_space<vmem>> -> memref<1x128xi32, #tpu.memory_space<vmem>>
        %dma_start3A_683 = tpu.memref_squeeze %dma_start3A_682 : memref<1x128xi32, #tpu.memory_space<vmem>> -> memref<128xi32, #tpu.memory_space<vmem>>
        %dma_start3A_684 = arith.constant 0 : i32
        %dma_start3A_685 = arith.constant 0 : i32
        %dma_start3A_686 = tpu.memref_slice %arg3[%dma_start3A_684, %dma_start3A_685] : memref<1015808x64xf32, #tpu.memory_space<hbm>> -> memref<1015808x64xf32, #tpu.memory_space<hbm>>
        tpu.enqueue_indirect_dma source(%dma_start3A_686 : memref<1015808x64xf32, #tpu.memory_space<hbm>>) target(%dma_start3A_680 : memref<128x64xf32, #tpu.memory_space<vmem>>) offsets(%dma_start3A_683 : memref<128xi32, #tpu.memory_space<vmem>>) semaphore(%arg7 : memref<!tpu.dma_semaphore, #tpu.memory_space<semaphore_mem>>)
      } else {
      }
      %mul3A_420 = arith.constant 10 : i32
      %mul3A_421 = arith.muli %add3A_264, %mul3A_420 : i32
      %add3A_422 = arith.constant 4 : i32
      %add3A_423 = arith.addi %mul3A_421, %add3A_422 : i32
      %dma_wait3A_424 = arith.constant 0 : i32
      %dma_wait3A_425 = arith.constant 4 : i32
      %dma_wait3A_426 = arith.constant 0 : i32
      %dma_wait3A_427 = arith.constant 0 : i32
      %dma_wait3A_428 = tpu.memref_slice %arg6[%dma_wait3A_425, %dma_wait3A_426, %dma_wait3A_427] : memref<10x128x64xf32, #tpu.memory_space<vmem>> -> memref<1x128x64xf32, #tpu.memory_space<vmem>>
      %dma_wait3A_429 = tpu.memref_squeeze %dma_wait3A_428 : memref<1x128x64xf32, #tpu.memory_space<vmem>> -> memref<128x64xf32, #tpu.memory_space<vmem>>
      %dma_wait3A_430 = arith.constant 0 : i32
      %dma_wait3A_431 = tpu.memref_slice %arg5[%dma_wait3A_424, %dma_wait3A_430] : memref<80x128xi32, #tpu.memory_space<vmem>> -> memref<1x128xi32, #tpu.memory_space<vmem>>
      %dma_wait3A_432 = tpu.memref_squeeze %dma_wait3A_431 : memref<1x128xi32, #tpu.memory_space<vmem>> -> memref<128xi32, #tpu.memory_space<vmem>>
      %dma_wait3A_433 = arith.constant 0 : i32
      %dma_wait3A_434 = arith.constant 0 : i32
      %dma_wait3A_435 = tpu.memref_slice %arg3[%dma_wait3A_433, %dma_wait3A_434] : memref<1015808x64xf32, #tpu.memory_space<hbm>> -> memref<1015808x64xf32, #tpu.memory_space<hbm>>
      tpu.wait_indirect_dma semaphore(%arg7 : memref<!tpu.dma_semaphore, #tpu.memory_space<semaphore_mem>>) src(%dma_wait3A_435 : memref<1015808x64xf32, #tpu.memory_space<hbm>>) dst(%dma_wait3A_429 : memref<128x64xf32, #tpu.memory_space<vmem>>)
      %mul3A_436 = arith.constant 128 : i32
      %mul3A_437 = arith.muli %add3A_423, %mul3A_436 : i32
      %add3A_438 = arith.addi %mul3A_2, %mul3A_437 : i32
      %dma_start3A_439 = arith.constant 4 : i32
      %dma_start3A_440 = arith.constant 0 : i32
      %dma_start3A_441 = arith.constant 0 : i32
      %dma_start3A_442 = tpu.memref_slice %arg6[%dma_start3A_439, %dma_start3A_440, %dma_start3A_441] : memref<10x128x64xf32, #tpu.memory_space<vmem>> -> memref<1x128x64xf32, #tpu.memory_space<vmem>>
      %dma_start3A_443 = tpu.memref_squeeze %dma_start3A_442 : memref<1x128x64xf32, #tpu.memory_space<vmem>> -> memref<128x64xf32, #tpu.memory_space<vmem>>
      %dma_start3A_444 = arith.constant 0 : i32
      %dma_start3A_445 = tpu.memref_slice %arg4[%add3A_438, %dma_start3A_444] : memref<327680x64xf32, #tpu.memory_space<hbm>> -> memref<128x64xf32, #tpu.memory_space<hbm>>
      %dma_start3A_446 = arith.constant 0 : i32
      %dma_start3A_447 = tpu.memref_slice %arg4[%add3A_438, %dma_start3A_446] : memref<327680x64xf32, #tpu.memory_space<hbm>> -> memref<128x64xf32, #tpu.memory_space<hbm>>
      %dma_start3A_448 = arith.constant 0 : i32
      %dma_start3A_449 = arith.constant 0 : i32
      %dma_start3A_450 = tpu.memref_slice %arg6[%dma_start3A_439, %dma_start3A_448, %dma_start3A_449] : memref<10x128x64xf32, #tpu.memory_space<vmem>> -> memref<1x128x64xf32, #tpu.memory_space<vmem>>
      %dma_start3A_451 = tpu.memref_squeeze %dma_start3A_450 : memref<1x128x64xf32, #tpu.memory_space<vmem>> -> memref<128x64xf32, #tpu.memory_space<vmem>>
      tpu.enqueue_dma source(%dma_start3A_451 : memref<128x64xf32, #tpu.memory_space<vmem>>) target(%dma_start3A_447 : memref<128x64xf32, #tpu.memory_space<hbm>>) target_semaphore(%arg8 : memref<!tpu.dma_semaphore, #tpu.memory_space<semaphore_mem>>)
      %ge3A_452 = arith.constant 2 : i32
      %ge3A_453 = arith.cmpi sge, %add3A_423, %ge3A_452 : i32
      %lt3A_454 = arith.constant 72 : i32
      %lt3A_455 = arith.cmpi slt, %add3A_423, %lt3A_454 : i32
      %and3A_456 = arith.andi %ge3A_453, %lt3A_455 : i1
      %convert_element_type3A_457 = arith.extui %and3A_456 : i1 to i32
      %cond3A_458 = arith.constant 0 : i32
      %cond3A_459 = arith.cmpi ne, %convert_element_type3A_457, %cond3A_458 : i32
      scf.if %cond3A_459 {
        %dma_wait3A_660 = arith.constant 0 : i32
        %dma_wait3A_661 = arith.constant 0 : i32
        %dma_wait3A_662 = arith.constant 0 : i32
        %dma_wait3A_663 = tpu.memref_slice %arg6[%dma_wait3A_660, %dma_wait3A_661, %dma_wait3A_662] : memref<10x128x64xf32, #tpu.memory_space<vmem>> -> memref<1x128x64xf32, #tpu.memory_space<vmem>>
        %dma_wait3A_664 = tpu.memref_squeeze %dma_wait3A_663 : memref<1x128x64xf32, #tpu.memory_space<vmem>> -> memref<128x64xf32, #tpu.memory_space<vmem>>
        %dma_wait3A_665 = arith.constant 0 : i32
        %dma_wait3A_666 = tpu.memref_slice %arg4[%mul3A_2, %dma_wait3A_665] : memref<327680x64xf32, #tpu.memory_space<hbm>> -> memref<128x64xf32, #tpu.memory_space<hbm>>
        %dma_wait3A_667 = arith.constant 0 : i32
        %dma_wait3A_668 = tpu.memref_slice %arg4[%mul3A_2, %dma_wait3A_667] : memref<327680x64xf32, #tpu.memory_space<hbm>> -> memref<128x64xf32, #tpu.memory_space<hbm>>
        %dma_wait3A_669 = arith.constant 0 : i32
        %dma_wait3A_670 = arith.constant 0 : i32
        %dma_wait3A_671 = tpu.memref_slice %arg6[%dma_wait3A_660, %dma_wait3A_669, %dma_wait3A_670] : memref<10x128x64xf32, #tpu.memory_space<vmem>> -> memref<1x128x64xf32, #tpu.memory_space<vmem>>
        %dma_wait3A_672 = tpu.memref_squeeze %dma_wait3A_671 : memref<1x128x64xf32, #tpu.memory_space<vmem>> -> memref<128x64xf32, #tpu.memory_space<vmem>>
        tpu.wait_dma2 semaphore(%arg8 : memref<!tpu.dma_semaphore, #tpu.memory_space<semaphore_mem>>) src(%dma_wait3A_672 : memref<128x64xf32, #tpu.memory_space<vmem>>) dst(%dma_wait3A_668 : memref<128x64xf32, #tpu.memory_space<hbm>>)
        %add3A_673 = arith.constant 10 : i32
        %add3A_674 = arith.addi %add3A_423, %add3A_673 : i32
        %sub3A = arith.constant 2 : i32
        %sub3A_675 = arith.subi %add3A_674, %sub3A : i32
        %dma_start3A_676 = arith.constant 2 : i32
        %dma_start3A_677 = arith.constant 0 : i32
        %dma_start3A_678 = arith.constant 0 : i32
        %dma_start3A_679 = tpu.memref_slice %arg6[%dma_start3A_676, %dma_start3A_677, %dma_start3A_678] : memref<10x128x64xf32, #tpu.memory_space<vmem>> -> memref<1x128x64xf32, #tpu.memory_space<vmem>>
        %dma_start3A_680 = tpu.memref_squeeze %dma_start3A_679 : memref<1x128x64xf32, #tpu.memory_space<vmem>> -> memref<128x64xf32, #tpu.memory_space<vmem>>
        %dma_start3A_681 = arith.constant 0 : i32
        %dma_start3A_682 = tpu.memref_slice %arg5[%sub3A_675, %dma_start3A_681] : memref<80x128xi32, #tpu.memory_space<vmem>> -> memref<1x128xi32, #tpu.memory_space<vmem>>
        %dma_start3A_683 = tpu.memref_squeeze %dma_start3A_682 : memref<1x128xi32, #tpu.memory_space<vmem>> -> memref<128xi32, #tpu.memory_space<vmem>>
        %dma_start3A_684 = arith.constant 0 : i32
        %dma_start3A_685 = arith.constant 0 : i32
        %dma_start3A_686 = tpu.memref_slice %arg3[%dma_start3A_684, %dma_start3A_685] : memref<1015808x64xf32, #tpu.memory_space<hbm>> -> memref<1015808x64xf32, #tpu.memory_space<hbm>>
        tpu.enqueue_indirect_dma source(%dma_start3A_686 : memref<1015808x64xf32, #tpu.memory_space<hbm>>) target(%dma_start3A_680 : memref<128x64xf32, #tpu.memory_space<vmem>>) offsets(%dma_start3A_683 : memref<128xi32, #tpu.memory_space<vmem>>) semaphore(%arg7 : memref<!tpu.dma_semaphore, #tpu.memory_space<semaphore_mem>>)
      } else {
      }
      %mul3A_460 = arith.constant 10 : i32
      %mul3A_461 = arith.muli %add3A_264, %mul3A_460 : i32
      %add3A_462 = arith.constant 5 : i32
      %add3A_463 = arith.addi %mul3A_461, %add3A_462 : i32
      %dma_wait3A_464 = arith.constant 0 : i32
      %dma_wait3A_465 = arith.constant 5 : i32
      %dma_wait3A_466 = arith.constant 0 : i32
      %dma_wait3A_467 = arith.constant 0 : i32
      %dma_wait3A_468 = tpu.memref_slice %arg6[%dma_wait3A_465, %dma_wait3A_466, %dma_wait3A_467] : memref<10x128x64xf32, #tpu.memory_space<vmem>> -> memref<1x128x64xf32, #tpu.memory_space<vmem>>
      %dma_wait3A_469 = tpu.memref_squeeze %dma_wait3A_468 : memref<1x128x64xf32, #tpu.memory_space<vmem>> -> memref<128x64xf32, #tpu.memory_space<vmem>>
      %dma_wait3A_470 = arith.constant 0 : i32
      %dma_wait3A_471 = tpu.memref_slice %arg5[%dma_wait3A_464, %dma_wait3A_470] : memref<80x128xi32, #tpu.memory_space<vmem>> -> memref<1x128xi32, #tpu.memory_space<vmem>>
      %dma_wait3A_472 = tpu.memref_squeeze %dma_wait3A_471 : memref<1x128xi32, #tpu.memory_space<vmem>> -> memref<128xi32, #tpu.memory_space<vmem>>
      %dma_wait3A_473 = arith.constant 0 : i32
      %dma_wait3A_474 = arith.constant 0 : i32
      %dma_wait3A_475 = tpu.memref_slice %arg3[%dma_wait3A_473, %dma_wait3A_474] : memref<1015808x64xf32, #tpu.memory_space<hbm>> -> memref<1015808x64xf32, #tpu.memory_space<hbm>>
      tpu.wait_indirect_dma semaphore(%arg7 : memref<!tpu.dma_semaphore, #tpu.memory_space<semaphore_mem>>) src(%dma_wait3A_475 : memref<1015808x64xf32, #tpu.memory_space<hbm>>) dst(%dma_wait3A_469 : memref<128x64xf32, #tpu.memory_space<vmem>>)
      %mul3A_476 = arith.constant 128 : i32
      %mul3A_477 = arith.muli %add3A_463, %mul3A_476 : i32
      %add3A_478 = arith.addi %mul3A_2, %mul3A_477 : i32
      %dma_start3A_479 = arith.constant 5 : i32
      %dma_start3A_480 = arith.constant 0 : i32
      %dma_start3A_481 = arith.constant 0 : i32
      %dma_start3A_482 = tpu.memref_slice %arg6[%dma_start3A_479, %dma_start3A_480, %dma_start3A_481] : memref<10x128x64xf32, #tpu.memory_space<vmem>> -> memref<1x128x64xf32, #tpu.memory_space<vmem>>
      %dma_start3A_483 = tpu.memref_squeeze %dma_start3A_482 : memref<1x128x64xf32, #tpu.memory_space<vmem>> -> memref<128x64xf32, #tpu.memory_space<vmem>>
      %dma_start3A_484 = arith.constant 0 : i32
      %dma_start3A_485 = tpu.memref_slice %arg4[%add3A_478, %dma_start3A_484] : memref<327680x64xf32, #tpu.memory_space<hbm>> -> memref<128x64xf32, #tpu.memory_space<hbm>>
      %dma_start3A_486 = arith.constant 0 : i32
      %dma_start3A_487 = tpu.memref_slice %arg4[%add3A_478, %dma_start3A_486] : memref<327680x64xf32, #tpu.memory_space<hbm>> -> memref<128x64xf32, #tpu.memory_space<hbm>>
      %dma_start3A_488 = arith.constant 0 : i32
      %dma_start3A_489 = arith.constant 0 : i32
      %dma_start3A_490 = tpu.memref_slice %arg6[%dma_start3A_479, %dma_start3A_488, %dma_start3A_489] : memref<10x128x64xf32, #tpu.memory_space<vmem>> -> memref<1x128x64xf32, #tpu.memory_space<vmem>>
      %dma_start3A_491 = tpu.memref_squeeze %dma_start3A_490 : memref<1x128x64xf32, #tpu.memory_space<vmem>> -> memref<128x64xf32, #tpu.memory_space<vmem>>
      tpu.enqueue_dma source(%dma_start3A_491 : memref<128x64xf32, #tpu.memory_space<vmem>>) target(%dma_start3A_487 : memref<128x64xf32, #tpu.memory_space<hbm>>) target_semaphore(%arg8 : memref<!tpu.dma_semaphore, #tpu.memory_space<semaphore_mem>>)
      %ge3A_492 = arith.constant 2 : i32
      %ge3A_493 = arith.cmpi sge, %add3A_463, %ge3A_492 : i32
      %lt3A_494 = arith.constant 72 : i32
      %lt3A_495 = arith.cmpi slt, %add3A_463, %lt3A_494 : i32
      %and3A_496 = arith.andi %ge3A_493, %lt3A_495 : i1
      %convert_element_type3A_497 = arith.extui %and3A_496 : i1 to i32
      %cond3A_498 = arith.constant 0 : i32
      %cond3A_499 = arith.cmpi ne, %convert_element_type3A_497, %cond3A_498 : i32
      scf.if %cond3A_499 {
        %dma_wait3A_660 = arith.constant 0 : i32
        %dma_wait3A_661 = arith.constant 0 : i32
        %dma_wait3A_662 = arith.constant 0 : i32
        %dma_wait3A_663 = tpu.memref_slice %arg6[%dma_wait3A_660, %dma_wait3A_661, %dma_wait3A_662] : memref<10x128x64xf32, #tpu.memory_space<vmem>> -> memref<1x128x64xf32, #tpu.memory_space<vmem>>
        %dma_wait3A_664 = tpu.memref_squeeze %dma_wait3A_663 : memref<1x128x64xf32, #tpu.memory_space<vmem>> -> memref<128x64xf32, #tpu.memory_space<vmem>>
        %dma_wait3A_665 = arith.constant 0 : i32
        %dma_wait3A_666 = tpu.memref_slice %arg4[%mul3A_2, %dma_wait3A_665] : memref<327680x64xf32, #tpu.memory_space<hbm>> -> memref<128x64xf32, #tpu.memory_space<hbm>>
        %dma_wait3A_667 = arith.constant 0 : i32
        %dma_wait3A_668 = tpu.memref_slice %arg4[%mul3A_2, %dma_wait3A_667] : memref<327680x64xf32, #tpu.memory_space<hbm>> -> memref<128x64xf32, #tpu.memory_space<hbm>>
        %dma_wait3A_669 = arith.constant 0 : i32
        %dma_wait3A_670 = arith.constant 0 : i32
        %dma_wait3A_671 = tpu.memref_slice %arg6[%dma_wait3A_660, %dma_wait3A_669, %dma_wait3A_670] : memref<10x128x64xf32, #tpu.memory_space<vmem>> -> memref<1x128x64xf32, #tpu.memory_space<vmem>>
        %dma_wait3A_672 = tpu.memref_squeeze %dma_wait3A_671 : memref<1x128x64xf32, #tpu.memory_space<vmem>> -> memref<128x64xf32, #tpu.memory_space<vmem>>
        tpu.wait_dma2 semaphore(%arg8 : memref<!tpu.dma_semaphore, #tpu.memory_space<semaphore_mem>>) src(%dma_wait3A_672 : memref<128x64xf32, #tpu.memory_space<vmem>>) dst(%dma_wait3A_668 : memref<128x64xf32, #tpu.memory_space<hbm>>)
        %add3A_673 = arith.constant 10 : i32
        %add3A_674 = arith.addi %add3A_463, %add3A_673 : i32
        %sub3A = arith.constant 2 : i32
        %sub3A_675 = arith.subi %add3A_674, %sub3A : i32
        %dma_start3A_676 = arith.constant 3 : i32
        %dma_start3A_677 = arith.constant 0 : i32
        %dma_start3A_678 = arith.constant 0 : i32
        %dma_start3A_679 = tpu.memref_slice %arg6[%dma_start3A_676, %dma_start3A_677, %dma_start3A_678] : memref<10x128x64xf32, #tpu.memory_space<vmem>> -> memref<1x128x64xf32, #tpu.memory_space<vmem>>
        %dma_start3A_680 = tpu.memref_squeeze %dma_start3A_679 : memref<1x128x64xf32, #tpu.memory_space<vmem>> -> memref<128x64xf32, #tpu.memory_space<vmem>>
        %dma_start3A_681 = arith.constant 0 : i32
        %dma_start3A_682 = tpu.memref_slice %arg5[%sub3A_675, %dma_start3A_681] : memref<80x128xi32, #tpu.memory_space<vmem>> -> memref<1x128xi32, #tpu.memory_space<vmem>>
        %dma_start3A_683 = tpu.memref_squeeze %dma_start3A_682 : memref<1x128xi32, #tpu.memory_space<vmem>> -> memref<128xi32, #tpu.memory_space<vmem>>
        %dma_start3A_684 = arith.constant 0 : i32
        %dma_start3A_685 = arith.constant 0 : i32
        %dma_start3A_686 = tpu.memref_slice %arg3[%dma_start3A_684, %dma_start3A_685] : memref<1015808x64xf32, #tpu.memory_space<hbm>> -> memref<1015808x64xf32, #tpu.memory_space<hbm>>
        tpu.enqueue_indirect_dma source(%dma_start3A_686 : memref<1015808x64xf32, #tpu.memory_space<hbm>>) target(%dma_start3A_680 : memref<128x64xf32, #tpu.memory_space<vmem>>) offsets(%dma_start3A_683 : memref<128xi32, #tpu.memory_space<vmem>>) semaphore(%arg7 : memref<!tpu.dma_semaphore, #tpu.memory_space<semaphore_mem>>)
      } else {
      }
      %mul3A_500 = arith.constant 10 : i32
      %mul3A_501 = arith.muli %add3A_264, %mul3A_500 : i32
      %add3A_502 = arith.constant 6 : i32
      %add3A_503 = arith.addi %mul3A_501, %add3A_502 : i32
      %dma_wait3A_504 = arith.constant 0 : i32
      %dma_wait3A_505 = arith.constant 6 : i32
      %dma_wait3A_506 = arith.constant 0 : i32
      %dma_wait3A_507 = arith.constant 0 : i32
      %dma_wait3A_508 = tpu.memref_slice %arg6[%dma_wait3A_505, %dma_wait3A_506, %dma_wait3A_507] : memref<10x128x64xf32, #tpu.memory_space<vmem>> -> memref<1x128x64xf32, #tpu.memory_space<vmem>>
      %dma_wait3A_509 = tpu.memref_squeeze %dma_wait3A_508 : memref<1x128x64xf32, #tpu.memory_space<vmem>> -> memref<128x64xf32, #tpu.memory_space<vmem>>
      %dma_wait3A_510 = arith.constant 0 : i32
      %dma_wait3A_511 = tpu.memref_slice %arg5[%dma_wait3A_504, %dma_wait3A_510] : memref<80x128xi32, #tpu.memory_space<vmem>> -> memref<1x128xi32, #tpu.memory_space<vmem>>
      %dma_wait3A_512 = tpu.memref_squeeze %dma_wait3A_511 : memref<1x128xi32, #tpu.memory_space<vmem>> -> memref<128xi32, #tpu.memory_space<vmem>>
      %dma_wait3A_513 = arith.constant 0 : i32
      %dma_wait3A_514 = arith.constant 0 : i32
      %dma_wait3A_515 = tpu.memref_slice %arg3[%dma_wait3A_513, %dma_wait3A_514] : memref<1015808x64xf32, #tpu.memory_space<hbm>> -> memref<1015808x64xf32, #tpu.memory_space<hbm>>
      tpu.wait_indirect_dma semaphore(%arg7 : memref<!tpu.dma_semaphore, #tpu.memory_space<semaphore_mem>>) src(%dma_wait3A_515 : memref<1015808x64xf32, #tpu.memory_space<hbm>>) dst(%dma_wait3A_509 : memref<128x64xf32, #tpu.memory_space<vmem>>)
      %mul3A_516 = arith.constant 128 : i32
      %mul3A_517 = arith.muli %add3A_503, %mul3A_516 : i32
      %add3A_518 = arith.addi %mul3A_2, %mul3A_517 : i32
      %dma_start3A_519 = arith.constant 6 : i32
      %dma_start3A_520 = arith.constant 0 : i32
      %dma_start3A_521 = arith.constant 0 : i32
      %dma_start3A_522 = tpu.memref_slice %arg6[%dma_start3A_519, %dma_start3A_520, %dma_start3A_521] : memref<10x128x64xf32, #tpu.memory_space<vmem>> -> memref<1x128x64xf32, #tpu.memory_space<vmem>>
      %dma_start3A_523 = tpu.memref_squeeze %dma_start3A_522 : memref<1x128x64xf32, #tpu.memory_space<vmem>> -> memref<128x64xf32, #tpu.memory_space<vmem>>
      %dma_start3A_524 = arith.constant 0 : i32
      %dma_start3A_525 = tpu.memref_slice %arg4[%add3A_518, %dma_start3A_524] : memref<327680x64xf32, #tpu.memory_space<hbm>> -> memref<128x64xf32, #tpu.memory_space<hbm>>
      %dma_start3A_526 = arith.constant 0 : i32
      %dma_start3A_527 = tpu.memref_slice %arg4[%add3A_518, %dma_start3A_526] : memref<327680x64xf32, #tpu.memory_space<hbm>> -> memref<128x64xf32, #tpu.memory_space<hbm>>
      %dma_start3A_528 = arith.constant 0 : i32
      %dma_start3A_529 = arith.constant 0 : i32
      %dma_start3A_530 = tpu.memref_slice %arg6[%dma_start3A_519, %dma_start3A_528, %dma_start3A_529] : memref<10x128x64xf32, #tpu.memory_space<vmem>> -> memref<1x128x64xf32, #tpu.memory_space<vmem>>
      %dma_start3A_531 = tpu.memref_squeeze %dma_start3A_530 : memref<1x128x64xf32, #tpu.memory_space<vmem>> -> memref<128x64xf32, #tpu.memory_space<vmem>>
      tpu.enqueue_dma source(%dma_start3A_531 : memref<128x64xf32, #tpu.memory_space<vmem>>) target(%dma_start3A_527 : memref<128x64xf32, #tpu.memory_space<hbm>>) target_semaphore(%arg8 : memref<!tpu.dma_semaphore, #tpu.memory_space<semaphore_mem>>)
      %ge3A_532 = arith.constant 2 : i32
      %ge3A_533 = arith.cmpi sge, %add3A_503, %ge3A_532 : i32
      %lt3A_534 = arith.constant 72 : i32
      %lt3A_535 = arith.cmpi slt, %add3A_503, %lt3A_534 : i32
      %and3A_536 = arith.andi %ge3A_533, %lt3A_535 : i1
      %convert_element_type3A_537 = arith.extui %and3A_536 : i1 to i32
      %cond3A_538 = arith.constant 0 : i32
      %cond3A_539 = arith.cmpi ne, %convert_element_type3A_537, %cond3A_538 : i32
      scf.if %cond3A_539 {
        %dma_wait3A_660 = arith.constant 0 : i32
        %dma_wait3A_661 = arith.constant 0 : i32
        %dma_wait3A_662 = arith.constant 0 : i32
        %dma_wait3A_663 = tpu.memref_slice %arg6[%dma_wait3A_660, %dma_wait3A_661, %dma_wait3A_662] : memref<10x128x64xf32, #tpu.memory_space<vmem>> -> memref<1x128x64xf32, #tpu.memory_space<vmem>>
        %dma_wait3A_664 = tpu.memref_squeeze %dma_wait3A_663 : memref<1x128x64xf32, #tpu.memory_space<vmem>> -> memref<128x64xf32, #tpu.memory_space<vmem>>
        %dma_wait3A_665 = arith.constant 0 : i32
        %dma_wait3A_666 = tpu.memref_slice %arg4[%mul3A_2, %dma_wait3A_665] : memref<327680x64xf32, #tpu.memory_space<hbm>> -> memref<128x64xf32, #tpu.memory_space<hbm>>
        %dma_wait3A_667 = arith.constant 0 : i32
        %dma_wait3A_668 = tpu.memref_slice %arg4[%mul3A_2, %dma_wait3A_667] : memref<327680x64xf32, #tpu.memory_space<hbm>> -> memref<128x64xf32, #tpu.memory_space<hbm>>
        %dma_wait3A_669 = arith.constant 0 : i32
        %dma_wait3A_670 = arith.constant 0 : i32
        %dma_wait3A_671 = tpu.memref_slice %arg6[%dma_wait3A_660, %dma_wait3A_669, %dma_wait3A_670] : memref<10x128x64xf32, #tpu.memory_space<vmem>> -> memref<1x128x64xf32, #tpu.memory_space<vmem>>
        %dma_wait3A_672 = tpu.memref_squeeze %dma_wait3A_671 : memref<1x128x64xf32, #tpu.memory_space<vmem>> -> memref<128x64xf32, #tpu.memory_space<vmem>>
        tpu.wait_dma2 semaphore(%arg8 : memref<!tpu.dma_semaphore, #tpu.memory_space<semaphore_mem>>) src(%dma_wait3A_672 : memref<128x64xf32, #tpu.memory_space<vmem>>) dst(%dma_wait3A_668 : memref<128x64xf32, #tpu.memory_space<hbm>>)
        %add3A_673 = arith.constant 10 : i32
        %add3A_674 = arith.addi %add3A_503, %add3A_673 : i32
        %sub3A = arith.constant 2 : i32
        %sub3A_675 = arith.subi %add3A_674, %sub3A : i32
        %dma_start3A_676 = arith.constant 4 : i32
        %dma_start3A_677 = arith.constant 0 : i32
        %dma_start3A_678 = arith.constant 0 : i32
        %dma_start3A_679 = tpu.memref_slice %arg6[%dma_start3A_676, %dma_start3A_677, %dma_start3A_678] : memref<10x128x64xf32, #tpu.memory_space<vmem>> -> memref<1x128x64xf32, #tpu.memory_space<vmem>>
        %dma_start3A_680 = tpu.memref_squeeze %dma_start3A_679 : memref<1x128x64xf32, #tpu.memory_space<vmem>> -> memref<128x64xf32, #tpu.memory_space<vmem>>
        %dma_start3A_681 = arith.constant 0 : i32
        %dma_start3A_682 = tpu.memref_slice %arg5[%sub3A_675, %dma_start3A_681] : memref<80x128xi32, #tpu.memory_space<vmem>> -> memref<1x128xi32, #tpu.memory_space<vmem>>
        %dma_start3A_683 = tpu.memref_squeeze %dma_start3A_682 : memref<1x128xi32, #tpu.memory_space<vmem>> -> memref<128xi32, #tpu.memory_space<vmem>>
        %dma_start3A_684 = arith.constant 0 : i32
        %dma_start3A_685 = arith.constant 0 : i32
        %dma_start3A_686 = tpu.memref_slice %arg3[%dma_start3A_684, %dma_start3A_685] : memref<1015808x64xf32, #tpu.memory_space<hbm>> -> memref<1015808x64xf32, #tpu.memory_space<hbm>>
        tpu.enqueue_indirect_dma source(%dma_start3A_686 : memref<1015808x64xf32, #tpu.memory_space<hbm>>) target(%dma_start3A_680 : memref<128x64xf32, #tpu.memory_space<vmem>>) offsets(%dma_start3A_683 : memref<128xi32, #tpu.memory_space<vmem>>) semaphore(%arg7 : memref<!tpu.dma_semaphore, #tpu.memory_space<semaphore_mem>>)
      } else {
      }
      %mul3A_540 = arith.constant 10 : i32
      %mul3A_541 = arith.muli %add3A_264, %mul3A_540 : i32
      %add3A_542 = arith.constant 7 : i32
      %add3A_543 = arith.addi %mul3A_541, %add3A_542 : i32
      %dma_wait3A_544 = arith.constant 0 : i32
      %dma_wait3A_545 = arith.constant 7 : i32
      %dma_wait3A_546 = arith.constant 0 : i32
      %dma_wait3A_547 = arith.constant 0 : i32
      %dma_wait3A_548 = tpu.memref_slice %arg6[%dma_wait3A_545, %dma_wait3A_546, %dma_wait3A_547] : memref<10x128x64xf32, #tpu.memory_space<vmem>> -> memref<1x128x64xf32, #tpu.memory_space<vmem>>
      %dma_wait3A_549 = tpu.memref_squeeze %dma_wait3A_548 : memref<1x128x64xf32, #tpu.memory_space<vmem>> -> memref<128x64xf32, #tpu.memory_space<vmem>>
      %dma_wait3A_550 = arith.constant 0 : i32
      %dma_wait3A_551 = tpu.memref_slice %arg5[%dma_wait3A_544, %dma_wait3A_550] : memref<80x128xi32, #tpu.memory_space<vmem>> -> memref<1x128xi32, #tpu.memory_space<vmem>>
      %dma_wait3A_552 = tpu.memref_squeeze %dma_wait3A_551 : memref<1x128xi32, #tpu.memory_space<vmem>> -> memref<128xi32, #tpu.memory_space<vmem>>
      %dma_wait3A_553 = arith.constant 0 : i32
      %dma_wait3A_554 = arith.constant 0 : i32
      %dma_wait3A_555 = tpu.memref_slice %arg3[%dma_wait3A_553, %dma_wait3A_554] : memref<1015808x64xf32, #tpu.memory_space<hbm>> -> memref<1015808x64xf32, #tpu.memory_space<hbm>>
      tpu.wait_indirect_dma semaphore(%arg7 : memref<!tpu.dma_semaphore, #tpu.memory_space<semaphore_mem>>) src(%dma_wait3A_555 : memref<1015808x64xf32, #tpu.memory_space<hbm>>) dst(%dma_wait3A_549 : memref<128x64xf32, #tpu.memory_space<vmem>>)
      %mul3A_556 = arith.constant 128 : i32
      %mul3A_557 = arith.muli %add3A_543, %mul3A_556 : i32
      %add3A_558 = arith.addi %mul3A_2, %mul3A_557 : i32
      %dma_start3A_559 = arith.constant 7 : i32
      %dma_start3A_560 = arith.constant 0 : i32
      %dma_start3A_561 = arith.constant 0 : i32
      %dma_start3A_562 = tpu.memref_slice %arg6[%dma_start3A_559, %dma_start3A_560, %dma_start3A_561] : memref<10x128x64xf32, #tpu.memory_space<vmem>> -> memref<1x128x64xf32, #tpu.memory_space<vmem>>
      %dma_start3A_563 = tpu.memref_squeeze %dma_start3A_562 : memref<1x128x64xf32, #tpu.memory_space<vmem>> -> memref<128x64xf32, #tpu.memory_space<vmem>>
      %dma_start3A_564 = arith.constant 0 : i32
      %dma_start3A_565 = tpu.memref_slice %arg4[%add3A_558, %dma_start3A_564] : memref<327680x64xf32, #tpu.memory_space<hbm>> -> memref<128x64xf32, #tpu.memory_space<hbm>>
      %dma_start3A_566 = arith.constant 0 : i32
      %dma_start3A_567 = tpu.memref_slice %arg4[%add3A_558, %dma_start3A_566] : memref<327680x64xf32, #tpu.memory_space<hbm>> -> memref<128x64xf32, #tpu.memory_space<hbm>>
      %dma_start3A_568 = arith.constant 0 : i32
      %dma_start3A_569 = arith.constant 0 : i32
      %dma_start3A_570 = tpu.memref_slice %arg6[%dma_start3A_559, %dma_start3A_568, %dma_start3A_569] : memref<10x128x64xf32, #tpu.memory_space<vmem>> -> memref<1x128x64xf32, #tpu.memory_space<vmem>>
      %dma_start3A_571 = tpu.memref_squeeze %dma_start3A_570 : memref<1x128x64xf32, #tpu.memory_space<vmem>> -> memref<128x64xf32, #tpu.memory_space<vmem>>
      tpu.enqueue_dma source(%dma_start3A_571 : memref<128x64xf32, #tpu.memory_space<vmem>>) target(%dma_start3A_567 : memref<128x64xf32, #tpu.memory_space<hbm>>) target_semaphore(%arg8 : memref<!tpu.dma_semaphore, #tpu.memory_space<semaphore_mem>>)
      %ge3A_572 = arith.constant 2 : i32
      %ge3A_573 = arith.cmpi sge, %add3A_543, %ge3A_572 : i32
      %lt3A_574 = arith.constant 72 : i32
      %lt3A_575 = arith.cmpi slt, %add3A_543, %lt3A_574 : i32
      %and3A_576 = arith.andi %ge3A_573, %lt3A_575 : i1
      %convert_element_type3A_577 = arith.extui %and3A_576 : i1 to i32
      %cond3A_578 = arith.constant 0 : i32
      %cond3A_579 = arith.cmpi ne, %convert_element_type3A_577, %cond3A_578 : i32
      scf.if %cond3A_579 {
        %dma_wait3A_660 = arith.constant 0 : i32
        %dma_wait3A_661 = arith.constant 0 : i32
        %dma_wait3A_662 = arith.constant 0 : i32
        %dma_wait3A_663 = tpu.memref_slice %arg6[%dma_wait3A_660, %dma_wait3A_661, %dma_wait3A_662] : memref<10x128x64xf32, #tpu.memory_space<vmem>> -> memref<1x128x64xf32, #tpu.memory_space<vmem>>
        %dma_wait3A_664 = tpu.memref_squeeze %dma_wait3A_663 : memref<1x128x64xf32, #tpu.memory_space<vmem>> -> memref<128x64xf32, #tpu.memory_space<vmem>>
        %dma_wait3A_665 = arith.constant 0 : i32
        %dma_wait3A_666 = tpu.memref_slice %arg4[%mul3A_2, %dma_wait3A_665] : memref<327680x64xf32, #tpu.memory_space<hbm>> -> memref<128x64xf32, #tpu.memory_space<hbm>>
        %dma_wait3A_667 = arith.constant 0 : i32
        %dma_wait3A_668 = tpu.memref_slice %arg4[%mul3A_2, %dma_wait3A_667] : memref<327680x64xf32, #tpu.memory_space<hbm>> -> memref<128x64xf32, #tpu.memory_space<hbm>>
        %dma_wait3A_669 = arith.constant 0 : i32
        %dma_wait3A_670 = arith.constant 0 : i32
        %dma_wait3A_671 = tpu.memref_slice %arg6[%dma_wait3A_660, %dma_wait3A_669, %dma_wait3A_670] : memref<10x128x64xf32, #tpu.memory_space<vmem>> -> memref<1x128x64xf32, #tpu.memory_space<vmem>>
        %dma_wait3A_672 = tpu.memref_squeeze %dma_wait3A_671 : memref<1x128x64xf32, #tpu.memory_space<vmem>> -> memref<128x64xf32, #tpu.memory_space<vmem>>
        tpu.wait_dma2 semaphore(%arg8 : memref<!tpu.dma_semaphore, #tpu.memory_space<semaphore_mem>>) src(%dma_wait3A_672 : memref<128x64xf32, #tpu.memory_space<vmem>>) dst(%dma_wait3A_668 : memref<128x64xf32, #tpu.memory_space<hbm>>)
        %add3A_673 = arith.constant 10 : i32
        %add3A_674 = arith.addi %add3A_543, %add3A_673 : i32
        %sub3A = arith.constant 2 : i32
        %sub3A_675 = arith.subi %add3A_674, %sub3A : i32
        %dma_start3A_676 = arith.constant 5 : i32
        %dma_start3A_677 = arith.constant 0 : i32
        %dma_start3A_678 = arith.constant 0 : i32
        %dma_start3A_679 = tpu.memref_slice %arg6[%dma_start3A_676, %dma_start3A_677, %dma_start3A_678] : memref<10x128x64xf32, #tpu.memory_space<vmem>> -> memref<1x128x64xf32, #tpu.memory_space<vmem>>
        %dma_start3A_680 = tpu.memref_squeeze %dma_start3A_679 : memref<1x128x64xf32, #tpu.memory_space<vmem>> -> memref<128x64xf32, #tpu.memory_space<vmem>>
        %dma_start3A_681 = arith.constant 0 : i32
        %dma_start3A_682 = tpu.memref_slice %arg5[%sub3A_675, %dma_start3A_681] : memref<80x128xi32, #tpu.memory_space<vmem>> -> memref<1x128xi32, #tpu.memory_space<vmem>>
        %dma_start3A_683 = tpu.memref_squeeze %dma_start3A_682 : memref<1x128xi32, #tpu.memory_space<vmem>> -> memref<128xi32, #tpu.memory_space<vmem>>
        %dma_start3A_684 = arith.constant 0 : i32
        %dma_start3A_685 = arith.constant 0 : i32
        %dma_start3A_686 = tpu.memref_slice %arg3[%dma_start3A_684, %dma_start3A_685] : memref<1015808x64xf32, #tpu.memory_space<hbm>> -> memref<1015808x64xf32, #tpu.memory_space<hbm>>
        tpu.enqueue_indirect_dma source(%dma_start3A_686 : memref<1015808x64xf32, #tpu.memory_space<hbm>>) target(%dma_start3A_680 : memref<128x64xf32, #tpu.memory_space<vmem>>) offsets(%dma_start3A_683 : memref<128xi32, #tpu.memory_space<vmem>>) semaphore(%arg7 : memref<!tpu.dma_semaphore, #tpu.memory_space<semaphore_mem>>)
      } else {
      }
      %mul3A_580 = arith.constant 10 : i32
      %mul3A_581 = arith.muli %add3A_264, %mul3A_580 : i32
      %add3A_582 = arith.constant 8 : i32
      %add3A_583 = arith.addi %mul3A_581, %add3A_582 : i32
      %dma_wait3A_584 = arith.constant 0 : i32
      %dma_wait3A_585 = arith.constant 8 : i32
      %dma_wait3A_586 = arith.constant 0 : i32
      %dma_wait3A_587 = arith.constant 0 : i32
      %dma_wait3A_588 = tpu.memref_slice %arg6[%dma_wait3A_585, %dma_wait3A_586, %dma_wait3A_587] : memref<10x128x64xf32, #tpu.memory_space<vmem>> -> memref<1x128x64xf32, #tpu.memory_space<vmem>>
      %dma_wait3A_589 = tpu.memref_squeeze %dma_wait3A_588 : memref<1x128x64xf32, #tpu.memory_space<vmem>> -> memref<128x64xf32, #tpu.memory_space<vmem>>
      %dma_wait3A_590 = arith.constant 0 : i32
      %dma_wait3A_591 = tpu.memref_slice %arg5[%dma_wait3A_584, %dma_wait3A_590] : memref<80x128xi32, #tpu.memory_space<vmem>> -> memref<1x128xi32, #tpu.memory_space<vmem>>
      %dma_wait3A_592 = tpu.memref_squeeze %dma_wait3A_591 : memref<1x128xi32, #tpu.memory_space<vmem>> -> memref<128xi32, #tpu.memory_space<vmem>>
      %dma_wait3A_593 = arith.constant 0 : i32
      %dma_wait3A_594 = arith.constant 0 : i32
      %dma_wait3A_595 = tpu.memref_slice %arg3[%dma_wait3A_593, %dma_wait3A_594] : memref<1015808x64xf32, #tpu.memory_space<hbm>> -> memref<1015808x64xf32, #tpu.memory_space<hbm>>
      tpu.wait_indirect_dma semaphore(%arg7 : memref<!tpu.dma_semaphore, #tpu.memory_space<semaphore_mem>>) src(%dma_wait3A_595 : memref<1015808x64xf32, #tpu.memory_space<hbm>>) dst(%dma_wait3A_589 : memref<128x64xf32, #tpu.memory_space<vmem>>)
      %mul3A_596 = arith.constant 128 : i32
      %mul3A_597 = arith.muli %add3A_583, %mul3A_596 : i32
      %add3A_598 = arith.addi %mul3A_2, %mul3A_597 : i32
      %dma_start3A_599 = arith.constant 8 : i32
      %dma_start3A_600 = arith.constant 0 : i32
      %dma_start3A_601 = arith.constant 0 : i32
      %dma_start3A_602 = tpu.memref_slice %arg6[%dma_start3A_599, %dma_start3A_600, %dma_start3A_601] : memref<10x128x64xf32, #tpu.memory_space<vmem>> -> memref<1x128x64xf32, #tpu.memory_space<vmem>>
      %dma_start3A_603 = tpu.memref_squeeze %dma_start3A_602 : memref<1x128x64xf32, #tpu.memory_space<vmem>> -> memref<128x64xf32, #tpu.memory_space<vmem>>
      %dma_start3A_604 = arith.constant 0 : i32
      %dma_start3A_605 = tpu.memref_slice %arg4[%add3A_598, %dma_start3A_604] : memref<327680x64xf32, #tpu.memory_space<hbm>> -> memref<128x64xf32, #tpu.memory_space<hbm>>
      %dma_start3A_606 = arith.constant 0 : i32
      %dma_start3A_607 = tpu.memref_slice %arg4[%add3A_598, %dma_start3A_606] : memref<327680x64xf32, #tpu.memory_space<hbm>> -> memref<128x64xf32, #tpu.memory_space<hbm>>
      %dma_start3A_608 = arith.constant 0 : i32
      %dma_start3A_609 = arith.constant 0 : i32
      %dma_start3A_610 = tpu.memref_slice %arg6[%dma_start3A_599, %dma_start3A_608, %dma_start3A_609] : memref<10x128x64xf32, #tpu.memory_space<vmem>> -> memref<1x128x64xf32, #tpu.memory_space<vmem>>
      %dma_start3A_611 = tpu.memref_squeeze %dma_start3A_610 : memref<1x128x64xf32, #tpu.memory_space<vmem>> -> memref<128x64xf32, #tpu.memory_space<vmem>>
      tpu.enqueue_dma source(%dma_start3A_611 : memref<128x64xf32, #tpu.memory_space<vmem>>) target(%dma_start3A_607 : memref<128x64xf32, #tpu.memory_space<hbm>>) target_semaphore(%arg8 : memref<!tpu.dma_semaphore, #tpu.memory_space<semaphore_mem>>)
      %ge3A_612 = arith.constant 2 : i32
      %ge3A_613 = arith.cmpi sge, %add3A_583, %ge3A_612 : i32
      %lt3A_614 = arith.constant 72 : i32
      %lt3A_615 = arith.cmpi slt, %add3A_583, %lt3A_614 : i32
      %and3A_616 = arith.andi %ge3A_613, %lt3A_615 : i1
      %convert_element_type3A_617 = arith.extui %and3A_616 : i1 to i32
      %cond3A_618 = arith.constant 0 : i32
      %cond3A_619 = arith.cmpi ne, %convert_element_type3A_617, %cond3A_618 : i32
      scf.if %cond3A_619 {
        %dma_wait3A_660 = arith.constant 0 : i32
        %dma_wait3A_661 = arith.constant 0 : i32
        %dma_wait3A_662 = arith.constant 0 : i32
        %dma_wait3A_663 = tpu.memref_slice %arg6[%dma_wait3A_660, %dma_wait3A_661, %dma_wait3A_662] : memref<10x128x64xf32, #tpu.memory_space<vmem>> -> memref<1x128x64xf32, #tpu.memory_space<vmem>>
        %dma_wait3A_664 = tpu.memref_squeeze %dma_wait3A_663 : memref<1x128x64xf32, #tpu.memory_space<vmem>> -> memref<128x64xf32, #tpu.memory_space<vmem>>
        %dma_wait3A_665 = arith.constant 0 : i32
        %dma_wait3A_666 = tpu.memref_slice %arg4[%mul3A_2, %dma_wait3A_665] : memref<327680x64xf32, #tpu.memory_space<hbm>> -> memref<128x64xf32, #tpu.memory_space<hbm>>
        %dma_wait3A_667 = arith.constant 0 : i32
        %dma_wait3A_668 = tpu.memref_slice %arg4[%mul3A_2, %dma_wait3A_667] : memref<327680x64xf32, #tpu.memory_space<hbm>> -> memref<128x64xf32, #tpu.memory_space<hbm>>
        %dma_wait3A_669 = arith.constant 0 : i32
        %dma_wait3A_670 = arith.constant 0 : i32
        %dma_wait3A_671 = tpu.memref_slice %arg6[%dma_wait3A_660, %dma_wait3A_669, %dma_wait3A_670] : memref<10x128x64xf32, #tpu.memory_space<vmem>> -> memref<1x128x64xf32, #tpu.memory_space<vmem>>
        %dma_wait3A_672 = tpu.memref_squeeze %dma_wait3A_671 : memref<1x128x64xf32, #tpu.memory_space<vmem>> -> memref<128x64xf32, #tpu.memory_space<vmem>>
        tpu.wait_dma2 semaphore(%arg8 : memref<!tpu.dma_semaphore, #tpu.memory_space<semaphore_mem>>) src(%dma_wait3A_672 : memref<128x64xf32, #tpu.memory_space<vmem>>) dst(%dma_wait3A_668 : memref<128x64xf32, #tpu.memory_space<hbm>>)
        %add3A_673 = arith.constant 10 : i32
        %add3A_674 = arith.addi %add3A_583, %add3A_673 : i32
        %sub3A = arith.constant 2 : i32
        %sub3A_675 = arith.subi %add3A_674, %sub3A : i32
        %dma_start3A_676 = arith.constant 6 : i32
        %dma_start3A_677 = arith.constant 0 : i32
        %dma_start3A_678 = arith.constant 0 : i32
        %dma_start3A_679 = tpu.memref_slice %arg6[%dma_start3A_676, %dma_start3A_677, %dma_start3A_678] : memref<10x128x64xf32, #tpu.memory_space<vmem>> -> memref<1x128x64xf32, #tpu.memory_space<vmem>>
        %dma_start3A_680 = tpu.memref_squeeze %dma_start3A_679 : memref<1x128x64xf32, #tpu.memory_space<vmem>> -> memref<128x64xf32, #tpu.memory_space<vmem>>
        %dma_start3A_681 = arith.constant 0 : i32
        %dma_start3A_682 = tpu.memref_slice %arg5[%sub3A_675, %dma_start3A_681] : memref<80x128xi32, #tpu.memory_space<vmem>> -> memref<1x128xi32, #tpu.memory_space<vmem>>
        %dma_start3A_683 = tpu.memref_squeeze %dma_start3A_682 : memref<1x128xi32, #tpu.memory_space<vmem>> -> memref<128xi32, #tpu.memory_space<vmem>>
        %dma_start3A_684 = arith.constant 0 : i32
        %dma_start3A_685 = arith.constant 0 : i32
        %dma_start3A_686 = tpu.memref_slice %arg3[%dma_start3A_684, %dma_start3A_685] : memref<1015808x64xf32, #tpu.memory_space<hbm>> -> memref<1015808x64xf32, #tpu.memory_space<hbm>>
        tpu.enqueue_indirect_dma source(%dma_start3A_686 : memref<1015808x64xf32, #tpu.memory_space<hbm>>) target(%dma_start3A_680 : memref<128x64xf32, #tpu.memory_space<vmem>>) offsets(%dma_start3A_683 : memref<128xi32, #tpu.memory_space<vmem>>) semaphore(%arg7 : memref<!tpu.dma_semaphore, #tpu.memory_space<semaphore_mem>>)
      } else {
      }
      %mul3A_620 = arith.constant 10 : i32
      %mul3A_621 = arith.muli %add3A_264, %mul3A_620 : i32
      %add3A_622 = arith.constant 9 : i32
      %add3A_623 = arith.addi %mul3A_621, %add3A_622 : i32
      %dma_wait3A_624 = arith.constant 0 : i32
      %dma_wait3A_625 = arith.constant 9 : i32
      %dma_wait3A_626 = arith.constant 0 : i32
      %dma_wait3A_627 = arith.constant 0 : i32
      %dma_wait3A_628 = tpu.memref_slice %arg6[%dma_wait3A_625, %dma_wait3A_626, %dma_wait3A_627] : memref<10x128x64xf32, #tpu.memory_space<vmem>> -> memref<1x128x64xf32, #tpu.memory_space<vmem>>
      %dma_wait3A_629 = tpu.memref_squeeze %dma_wait3A_628 : memref<1x128x64xf32, #tpu.memory_space<vmem>> -> memref<128x64xf32, #tpu.memory_space<vmem>>
      %dma_wait3A_630 = arith.constant 0 : i32
      %dma_wait3A_631 = tpu.memref_slice %arg5[%dma_wait3A_624, %dma_wait3A_630] : memref<80x128xi32, #tpu.memory_space<vmem>> -> memref<1x128xi32, #tpu.memory_space<vmem>>
      %dma_wait3A_632 = tpu.memref_squeeze %dma_wait3A_631 : memref<1x128xi32, #tpu.memory_space<vmem>> -> memref<128xi32, #tpu.memory_space<vmem>>
      %dma_wait3A_633 = arith.constant 0 : i32
      %dma_wait3A_634 = arith.constant 0 : i32
      %dma_wait3A_635 = tpu.memref_slice %arg3[%dma_wait3A_633, %dma_wait3A_634] : memref<1015808x64xf32, #tpu.memory_space<hbm>> -> memref<1015808x64xf32, #tpu.memory_space<hbm>>
      tpu.wait_indirect_dma semaphore(%arg7 : memref<!tpu.dma_semaphore, #tpu.memory_space<semaphore_mem>>) src(%dma_wait3A_635 : memref<1015808x64xf32, #tpu.memory_space<hbm>>) dst(%dma_wait3A_629 : memref<128x64xf32, #tpu.memory_space<vmem>>)
      %mul3A_636 = arith.constant 128 : i32
      %mul3A_637 = arith.muli %add3A_623, %mul3A_636 : i32
      %add3A_638 = arith.addi %mul3A_2, %mul3A_637 : i32
      %dma_start3A_639 = arith.constant 9 : i32
      %dma_start3A_640 = arith.constant 0 : i32
      %dma_start3A_641 = arith.constant 0 : i32
      %dma_start3A_642 = tpu.memref_slice %arg6[%dma_start3A_639, %dma_start3A_640, %dma_start3A_641] : memref<10x128x64xf32, #tpu.memory_space<vmem>> -> memref<1x128x64xf32, #tpu.memory_space<vmem>>
      %dma_start3A_643 = tpu.memref_squeeze %dma_start3A_642 : memref<1x128x64xf32, #tpu.memory_space<vmem>> -> memref<128x64xf32, #tpu.memory_space<vmem>>
      %dma_start3A_644 = arith.constant 0 : i32
      %dma_start3A_645 = tpu.memref_slice %arg4[%add3A_638, %dma_start3A_644] : memref<327680x64xf32, #tpu.memory_space<hbm>> -> memref<128x64xf32, #tpu.memory_space<hbm>>
      %dma_start3A_646 = arith.constant 0 : i32
      %dma_start3A_647 = tpu.memref_slice %arg4[%add3A_638, %dma_start3A_646] : memref<327680x64xf32, #tpu.memory_space<hbm>> -> memref<128x64xf32, #tpu.memory_space<hbm>>
      %dma_start3A_648 = arith.constant 0 : i32
      %dma_start3A_649 = arith.constant 0 : i32
      %dma_start3A_650 = tpu.memref_slice %arg6[%dma_start3A_639, %dma_start3A_648, %dma_start3A_649] : memref<10x128x64xf32, #tpu.memory_space<vmem>> -> memref<1x128x64xf32, #tpu.memory_space<vmem>>
      %dma_start3A_651 = tpu.memref_squeeze %dma_start3A_650 : memref<1x128x64xf32, #tpu.memory_space<vmem>> -> memref<128x64xf32, #tpu.memory_space<vmem>>
      tpu.enqueue_dma source(%dma_start3A_651 : memref<128x64xf32, #tpu.memory_space<vmem>>) target(%dma_start3A_647 : memref<128x64xf32, #tpu.memory_space<hbm>>) target_semaphore(%arg8 : memref<!tpu.dma_semaphore, #tpu.memory_space<semaphore_mem>>)
      %ge3A_652 = arith.constant 2 : i32
      %ge3A_653 = arith.cmpi sge, %add3A_623, %ge3A_652 : i32
      %lt3A_654 = arith.constant 72 : i32
      %lt3A_655 = arith.cmpi slt, %add3A_623, %lt3A_654 : i32
      %and3A_656 = arith.andi %ge3A_653, %lt3A_655 : i1
      %convert_element_type3A_657 = arith.extui %and3A_656 : i1 to i32
      %cond3A_658 = arith.constant 0 : i32
      %cond3A_659 = arith.cmpi ne, %convert_element_type3A_657, %cond3A_658 : i32
      scf.if %cond3A_659 {
        %dma_wait3A_660 = arith.constant 0 : i32
        %dma_wait3A_661 = arith.constant 0 : i32
        %dma_wait3A_662 = arith.constant 0 : i32
        %dma_wait3A_663 = tpu.memref_slice %arg6[%dma_wait3A_660, %dma_wait3A_661, %dma_wait3A_662] : memref<10x128x64xf32, #tpu.memory_space<vmem>> -> memref<1x128x64xf32, #tpu.memory_space<vmem>>
        %dma_wait3A_664 = tpu.memref_squeeze %dma_wait3A_663 : memref<1x128x64xf32, #tpu.memory_space<vmem>> -> memref<128x64xf32, #tpu.memory_space<vmem>>
        %dma_wait3A_665 = arith.constant 0 : i32
        %dma_wait3A_666 = tpu.memref_slice %arg4[%mul3A_2, %dma_wait3A_665] : memref<327680x64xf32, #tpu.memory_space<hbm>> -> memref<128x64xf32, #tpu.memory_space<hbm>>
        %dma_wait3A_667 = arith.constant 0 : i32
        %dma_wait3A_668 = tpu.memref_slice %arg4[%mul3A_2, %dma_wait3A_667] : memref<327680x64xf32, #tpu.memory_space<hbm>> -> memref<128x64xf32, #tpu.memory_space<hbm>>
        %dma_wait3A_669 = arith.constant 0 : i32
        %dma_wait3A_670 = arith.constant 0 : i32
        %dma_wait3A_671 = tpu.memref_slice %arg6[%dma_wait3A_660, %dma_wait3A_669, %dma_wait3A_670] : memref<10x128x64xf32, #tpu.memory_space<vmem>> -> memref<1x128x64xf32, #tpu.memory_space<vmem>>
        %dma_wait3A_672 = tpu.memref_squeeze %dma_wait3A_671 : memref<1x128x64xf32, #tpu.memory_space<vmem>> -> memref<128x64xf32, #tpu.memory_space<vmem>>
        tpu.wait_dma2 semaphore(%arg8 : memref<!tpu.dma_semaphore, #tpu.memory_space<semaphore_mem>>) src(%dma_wait3A_672 : memref<128x64xf32, #tpu.memory_space<vmem>>) dst(%dma_wait3A_668 : memref<128x64xf32, #tpu.memory_space<hbm>>)
        %add3A_673 = arith.constant 10 : i32
        %add3A_674 = arith.addi %add3A_623, %add3A_673 : i32
        %sub3A = arith.constant 2 : i32
        %sub3A_675 = arith.subi %add3A_674, %sub3A : i32
        %dma_start3A_676 = arith.constant 7 : i32
        %dma_start3A_677 = arith.constant 0 : i32
        %dma_start3A_678 = arith.constant 0 : i32
        %dma_start3A_679 = tpu.memref_slice %arg6[%dma_start3A_676, %dma_start3A_677, %dma_start3A_678] : memref<10x128x64xf32, #tpu.memory_space<vmem>> -> memref<1x128x64xf32, #tpu.memory_space<vmem>>
        %dma_start3A_680 = tpu.memref_squeeze %dma_start3A_679 : memref<1x128x64xf32, #tpu.memory_space<vmem>> -> memref<128x64xf32, #tpu.memory_space<vmem>>
        %dma_start3A_681 = arith.constant 0 : i32
        %dma_start3A_682 = tpu.memref_slice %arg5[%sub3A_675, %dma_start3A_681] : memref<80x128xi32, #tpu.memory_space<vmem>> -> memref<1x128xi32, #tpu.memory_space<vmem>>
        %dma_start3A_683 = tpu.memref_squeeze %dma_start3A_682 : memref<1x128xi32, #tpu.memory_space<vmem>> -> memref<128xi32, #tpu.memory_space<vmem>>
        %dma_start3A_684 = arith.constant 0 : i32
        %dma_start3A_685 = arith.constant 0 : i32
        %dma_start3A_686 = tpu.memref_slice %arg3[%dma_start3A_684, %dma_start3A_685] : memref<1015808x64xf32, #tpu.memory_space<hbm>> -> memref<1015808x64xf32, #tpu.memory_space<hbm>>
        tpu.enqueue_indirect_dma source(%dma_start3A_686 : memref<1015808x64xf32, #tpu.memory_space<hbm>>) target(%dma_start3A_680 : memref<128x64xf32, #tpu.memory_space<vmem>>) offsets(%dma_start3A_683 : memref<128xi32, #tpu.memory_space<vmem>>) semaphore(%arg7 : memref<!tpu.dma_semaphore, #tpu.memory_space<semaphore_mem>>)
      } else {
      }
    }
    %scan3A_130 = arith.constant 8 : i32
    %dma_wait3A = arith.constant 0 : i32
    %dma_wait3A_131 = arith.constant 0 : i32
    %dma_wait3A_132 = arith.constant 0 : i32
    %dma_wait3A_133 = tpu.memref_slice %arg6[%dma_wait3A, %dma_wait3A_131, %dma_wait3A_132] : memref<10x128x64xf32, #tpu.memory_space<vmem>> -> memref<1x128x64xf32, #tpu.memory_space<vmem>>
    %dma_wait3A_134 = tpu.memref_squeeze %dma_wait3A_133 : memref<1x128x64xf32, #tpu.memory_space<vmem>> -> memref<128x64xf32, #tpu.memory_space<vmem>>
    %dma_wait3A_135 = arith.constant 0 : i32
    %dma_wait3A_136 = tpu.memref_slice %arg4[%mul3A_2, %dma_wait3A_135] : memref<327680x64xf32, #tpu.memory_space<hbm>> -> memref<128x64xf32, #tpu.memory_space<hbm>>
    %dma_wait3A_137 = arith.constant 0 : i32
    %dma_wait3A_138 = tpu.memref_slice %arg4[%mul3A_2, %dma_wait3A_137] : memref<327680x64xf32, #tpu.memory_space<hbm>> -> memref<128x64xf32, #tpu.memory_space<hbm>>
    %dma_wait3A_139 = arith.constant 0 : i32
    %dma_wait3A_140 = arith.constant 0 : i32
    %dma_wait3A_141 = tpu.memref_slice %arg6[%dma_wait3A, %dma_wait3A_139, %dma_wait3A_140] : memref<10x128x64xf32, #tpu.memory_space<vmem>> -> memref<1x128x64xf32, #tpu.memory_space<vmem>>
    %dma_wait3A_142 = tpu.memref_squeeze %dma_wait3A_141 : memref<1x128x64xf32, #tpu.memory_space<vmem>> -> memref<128x64xf32, #tpu.memory_space<vmem>>
    tpu.wait_dma2 semaphore(%arg8 : memref<!tpu.dma_semaphore, #tpu.memory_space<semaphore_mem>>) src(%dma_wait3A_142 : memref<128x64xf32, #tpu.memory_space<vmem>>) dst(%dma_wait3A_138 : memref<128x64xf32, #tpu.memory_space<hbm>>)
    %dma_wait3A_143 = arith.constant 0 : i32
    %dma_wait3A_144 = arith.constant 0 : i32
    %dma_wait3A_145 = arith.constant 0 : i32
    %dma_wait3A_146 = tpu.memref_slice %arg6[%dma_wait3A_143, %dma_wait3A_144, %dma_wait3A_145] : memref<10x128x64xf32, #tpu.memory_space<vmem>> -> memref<1x128x64xf32, #tpu.memory_space<vmem>>
    %dma_wait3A_147 = tpu.memref_squeeze %dma_wait3A_146 : memref<1x128x64xf32, #tpu.memory_space<vmem>> -> memref<128x64xf32, #tpu.memory_space<vmem>>
    %dma_wait3A_148 = arith.constant 0 : i32
    %dma_wait3A_149 = tpu.memref_slice %arg4[%mul3A_2, %dma_wait3A_148] : memref<327680x64xf32, #tpu.memory_space<hbm>> -> memref<128x64xf32, #tpu.memory_space<hbm>>
    %dma_wait3A_150 = arith.constant 0 : i32
    %dma_wait3A_151 = tpu.memref_slice %arg4[%mul3A_2, %dma_wait3A_150] : memref<327680x64xf32, #tpu.memory_space<hbm>> -> memref<128x64xf32, #tpu.memory_space<hbm>>
    %dma_wait3A_152 = arith.constant 0 : i32
    %dma_wait3A_153 = arith.constant 0 : i32
    %dma_wait3A_154 = tpu.memref_slice %arg6[%dma_wait3A_143, %dma_wait3A_152, %dma_wait3A_153] : memref<10x128x64xf32, #tpu.memory_space<vmem>> -> memref<1x128x64xf32, #tpu.memory_space<vmem>>
    %dma_wait3A_155 = tpu.memref_squeeze %dma_wait3A_154 : memref<1x128x64xf32, #tpu.memory_space<vmem>> -> memref<128x64xf32, #tpu.memory_space<vmem>>
    tpu.wait_dma2 semaphore(%arg8 : memref<!tpu.dma_semaphore, #tpu.memory_space<semaphore_mem>>) src(%dma_wait3A_155 : memref<128x64xf32, #tpu.memory_space<vmem>>) dst(%dma_wait3A_151 : memref<128x64xf32, #tpu.memory_space<hbm>>)
    %dma_wait3A_156 = arith.constant 0 : i32
    %dma_wait3A_157 = arith.constant 0 : i32
    %dma_wait3A_158 = arith.constant 0 : i32
    %dma_wait3A_159 = tpu.memref_slice %arg6[%dma_wait3A_156, %dma_wait3A_157, %dma_wait3A_158] : memref<10x128x64xf32, #tpu.memory_space<vmem>> -> memref<1x128x64xf32, #tpu.memory_space<vmem>>
    %dma_wait3A_160 = tpu.memref_squeeze %dma_wait3A_159 : memref<1x128x64xf32, #tpu.memory_space<vmem>> -> memref<128x64xf32, #tpu.memory_space<vmem>>
    %dma_wait3A_161 = arith.constant 0 : i32
    %dma_wait3A_162 = tpu.memref_slice %arg4[%mul3A_2, %dma_wait3A_161] : memref<327680x64xf32, #tpu.memory_space<hbm>> -> memref<128x64xf32, #tpu.memory_space<hbm>>
    %dma_wait3A_163 = arith.constant 0 : i32
    %dma_wait3A_164 = tpu.memref_slice %arg4[%mul3A_2, %dma_wait3A_163] : memref<327680x64xf32, #tpu.memory_space<hbm>> -> memref<128x64xf32, #tpu.memory_space<hbm>>
    %dma_wait3A_165 = arith.constant 0 : i32
    %dma_wait3A_166 = arith.constant 0 : i32
    %dma_wait3A_167 = tpu.memref_slice %arg6[%dma_wait3A_156, %dma_wait3A_165, %dma_wait3A_166] : memref<10x128x64xf32, #tpu.memory_space<vmem>> -> memref<1x128x64xf32, #tpu.memory_space<vmem>>
    %dma_wait3A_168 = tpu.memref_squeeze %dma_wait3A_167 : memref<1x128x64xf32, #tpu.memory_space<vmem>> -> memref<128x64xf32, #tpu.memory_space<vmem>>
    tpu.wait_dma2 semaphore(%arg8 : memref<!tpu.dma_semaphore, #tpu.memory_space<semaphore_mem>>) src(%dma_wait3A_168 : memref<128x64xf32, #tpu.memory_space<vmem>>) dst(%dma_wait3A_164 : memref<128x64xf32, #tpu.memory_space<hbm>>)
    %dma_wait3A_169 = arith.constant 0 : i32
    %dma_wait3A_170 = arith.constant 0 : i32
    %dma_wait3A_171 = arith.constant 0 : i32
    %dma_wait3A_172 = tpu.memref_slice %arg6[%dma_wait3A_169, %dma_wait3A_170, %dma_wait3A_171] : memref<10x128x64xf32, #tpu.memory_space<vmem>> -> memref<1x128x64xf32, #tpu.memory_space<vmem>>
    %dma_wait3A_173 = tpu.memref_squeeze %dma_wait3A_172 : memref<1x128x64xf32, #tpu.memory_space<vmem>> -> memref<128x64xf32, #tpu.memory_space<vmem>>
    %dma_wait3A_174 = arith.constant 0 : i32
    %dma_wait3A_175 = tpu.memref_slice %arg4[%mul3A_2, %dma_wait3A_174] : memref<327680x64xf32, #tpu.memory_space<hbm>> -> memref<128x64xf32, #tpu.memory_space<hbm>>
    %dma_wait3A_176 = arith.constant 0 : i32
    %dma_wait3A_177 = tpu.memref_slice %arg4[%mul3A_2, %dma_wait3A_176] : memref<327680x64xf32, #tpu.memory_space<hbm>> -> memref<128x64xf32, #tpu.memory_space<hbm>>
    %dma_wait3A_178 = arith.constant 0 : i32
    %dma_wait3A_179 = arith.constant 0 : i32
    %dma_wait3A_180 = tpu.memref_slice %arg6[%dma_wait3A_169, %dma_wait3A_178, %dma_wait3A_179] : memref<10x128x64xf32, #tpu.memory_space<vmem>> -> memref<1x128x64xf32, #tpu.memory_space<vmem>>
    %dma_wait3A_181 = tpu.memref_squeeze %dma_wait3A_180 : memref<1x128x64xf32, #tpu.memory_space<vmem>> -> memref<128x64xf32, #tpu.memory_space<vmem>>
    tpu.wait_dma2 semaphore(%arg8 : memref<!tpu.dma_semaphore, #tpu.memory_space<semaphore_mem>>) src(%dma_wait3A_181 : memref<128x64xf32, #tpu.memory_space<vmem>>) dst(%dma_wait3A_177 : memref<128x64xf32, #tpu.memory_space<hbm>>)
    %dma_wait3A_182 = arith.constant 0 : i32
    %dma_wait3A_183 = arith.constant 0 : i32
    %dma_wait3A_184 = arith.constant 0 : i32
    %dma_wait3A_185 = tpu.memref_slice %arg6[%dma_wait3A_182, %dma_wait3A_183, %dma_wait3A_184] : memref<10x128x64xf32, #tpu.memory_space<vmem>> -> memref<1x128x64xf32, #tpu.memory_space<vmem>>
    %dma_wait3A_186 = tpu.memref_squeeze %dma_wait3A_185 : memref<1x128x64xf32, #tpu.memory_space<vmem>> -> memref<128x64xf32, #tpu.memory_space<vmem>>
    %dma_wait3A_187 = arith.constant 0 : i32
    %dma_wait3A_188 = tpu.memref_slice %arg4[%mul3A_2, %dma_wait3A_187] : memref<327680x64xf32, #tpu.memory_space<hbm>> -> memref<128x64xf32, #tpu.memory_space<hbm>>
    %dma_wait3A_189 = arith.constant 0 : i32
    %dma_wait3A_190 = tpu.memref_slice %arg4[%mul3A_2, %dma_wait3A_189] : memref<327680x64xf32, #tpu.memory_space<hbm>> -> memref<128x64xf32, #tpu.memory_space<hbm>>
    %dma_wait3A_191 = arith.constant 0 : i32
    %dma_wait3A_192 = arith.constant 0 : i32
    %dma_wait3A_193 = tpu.memref_slice %arg6[%dma_wait3A_182, %dma_wait3A_191, %dma_wait3A_192] : memref<10x128x64xf32, #tpu.memory_space<vmem>> -> memref<1x128x64xf32, #tpu.memory_space<vmem>>
    %dma_wait3A_194 = tpu.memref_squeeze %dma_wait3A_193 : memref<1x128x64xf32, #tpu.memory_space<vmem>> -> memref<128x64xf32, #tpu.memory_space<vmem>>
    tpu.wait_dma2 semaphore(%arg8 : memref<!tpu.dma_semaphore, #tpu.memory_space<semaphore_mem>>) src(%dma_wait3A_194 : memref<128x64xf32, #tpu.memory_space<vmem>>) dst(%dma_wait3A_190 : memref<128x64xf32, #tpu.memory_space<hbm>>)
    %dma_wait3A_195 = arith.constant 0 : i32
    %dma_wait3A_196 = arith.constant 0 : i32
    %dma_wait3A_197 = arith.constant 0 : i32
    %dma_wait3A_198 = tpu.memref_slice %arg6[%dma_wait3A_195, %dma_wait3A_196, %dma_wait3A_197] : memref<10x128x64xf32, #tpu.memory_space<vmem>> -> memref<1x128x64xf32, #tpu.memory_space<vmem>>
    %dma_wait3A_199 = tpu.memref_squeeze %dma_wait3A_198 : memref<1x128x64xf32, #tpu.memory_space<vmem>> -> memref<128x64xf32, #tpu.memory_space<vmem>>
    %dma_wait3A_200 = arith.constant 0 : i32
    %dma_wait3A_201 = tpu.memref_slice %arg4[%mul3A_2, %dma_wait3A_200] : memref<327680x64xf32, #tpu.memory_space<hbm>> -> memref<128x64xf32, #tpu.memory_space<hbm>>
    %dma_wait3A_202 = arith.constant 0 : i32
    %dma_wait3A_203 = tpu.memref_slice %arg4[%mul3A_2, %dma_wait3A_202] : memref<327680x64xf32, #tpu.memory_space<hbm>> -> memref<128x64xf32, #tpu.memory_space<hbm>>
    %dma_wait3A_204 = arith.constant 0 : i32
    %dma_wait3A_205 = arith.constant 0 : i32
    %dma_wait3A_206 = tpu.memref_slice %arg6[%dma_wait3A_195, %dma_wait3A_204, %dma_wait3A_205] : memref<10x128x64xf32, #tpu.memory_space<vmem>> -> memref<1x128x64xf32, #tpu.memory_space<vmem>>
    %dma_wait3A_207 = tpu.memref_squeeze %dma_wait3A_206 : memref<1x128x64xf32, #tpu.memory_space<vmem>> -> memref<128x64xf32, #tpu.memory_space<vmem>>
    tpu.wait_dma2 semaphore(%arg8 : memref<!tpu.dma_semaphore, #tpu.memory_space<semaphore_mem>>) src(%dma_wait3A_207 : memref<128x64xf32, #tpu.memory_space<vmem>>) dst(%dma_wait3A_203 : memref<128x64xf32, #tpu.memory_space<hbm>>)
    %dma_wait3A_208 = arith.constant 0 : i32
    %dma_wait3A_209 = arith.constant 0 : i32
    %dma_wait3A_210 = arith.constant 0 : i32
    %dma_wait3A_211 = tpu.memref_slice %arg6[%dma_wait3A_208, %dma_wait3A_209, %dma_wait3A_210] : memref<10x128x64xf32, #tpu.memory_space<vmem>> -> memref<1x128x64xf32, #tpu.memory_space<vmem>>
    %dma_wait3A_212 = tpu.memref_squeeze %dma_wait3A_211 : memref<1x128x64xf32, #tpu.memory_space<vmem>> -> memref<128x64xf32, #tpu.memory_space<vmem>>
    %dma_wait3A_213 = arith.constant 0 : i32
    %dma_wait3A_214 = tpu.memref_slice %arg4[%mul3A_2, %dma_wait3A_213] : memref<327680x64xf32, #tpu.memory_space<hbm>> -> memref<128x64xf32, #tpu.memory_space<hbm>>
    %dma_wait3A_215 = arith.constant 0 : i32
    %dma_wait3A_216 = tpu.memref_slice %arg4[%mul3A_2, %dma_wait3A_215] : memref<327680x64xf32, #tpu.memory_space<hbm>> -> memref<128x64xf32, #tpu.memory_space<hbm>>
    %dma_wait3A_217 = arith.constant 0 : i32
    %dma_wait3A_218 = arith.constant 0 : i32
    %dma_wait3A_219 = tpu.memref_slice %arg6[%dma_wait3A_208, %dma_wait3A_217, %dma_wait3A_218] : memref<10x128x64xf32, #tpu.memory_space<vmem>> -> memref<1x128x64xf32, #tpu.memory_space<vmem>>
    %dma_wait3A_220 = tpu.memref_squeeze %dma_wait3A_219 : memref<1x128x64xf32, #tpu.memory_space<vmem>> -> memref<128x64xf32, #tpu.memory_space<vmem>>
    tpu.wait_dma2 semaphore(%arg8 : memref<!tpu.dma_semaphore, #tpu.memory_space<semaphore_mem>>) src(%dma_wait3A_220 : memref<128x64xf32, #tpu.memory_space<vmem>>) dst(%dma_wait3A_216 : memref<128x64xf32, #tpu.memory_space<hbm>>)
    %dma_wait3A_221 = arith.constant 0 : i32
    %dma_wait3A_222 = arith.constant 0 : i32
    %dma_wait3A_223 = arith.constant 0 : i32
    %dma_wait3A_224 = tpu.memref_slice %arg6[%dma_wait3A_221, %dma_wait3A_222, %dma_wait3A_223] : memref<10x128x64xf32, #tpu.memory_space<vmem>> -> memref<1x128x64xf32, #tpu.memory_space<vmem>>
    %dma_wait3A_225 = tpu.memref_squeeze %dma_wait3A_224 : memref<1x128x64xf32, #tpu.memory_space<vmem>> -> memref<128x64xf32, #tpu.memory_space<vmem>>
    %dma_wait3A_226 = arith.constant 0 : i32
    %dma_wait3A_227 = tpu.memref_slice %arg4[%mul3A_2, %dma_wait3A_226] : memref<327680x64xf32, #tpu.memory_space<hbm>> -> memref<128x64xf32, #tpu.memory_space<hbm>>
    %dma_wait3A_228 = arith.constant 0 : i32
    %dma_wait3A_229 = tpu.memref_slice %arg4[%mul3A_2, %dma_wait3A_228] : memref<327680x64xf32, #tpu.memory_space<hbm>> -> memref<128x64xf32, #tpu.memory_space<hbm>>
    %dma_wait3A_230 = arith.constant 0 : i32
    %dma_wait3A_231 = arith.constant 0 : i32
    %dma_wait3A_232 = tpu.memref_slice %arg6[%dma_wait3A_221, %dma_wait3A_230, %dma_wait3A_231] : memref<10x128x64xf32, #tpu.memory_space<vmem>> -> memref<1x128x64xf32, #tpu.memory_space<vmem>>
    %dma_wait3A_233 = tpu.memref_squeeze %dma_wait3A_232 : memref<1x128x64xf32, #tpu.memory_space<vmem>> -> memref<128x64xf32, #tpu.memory_space<vmem>>
    tpu.wait_dma2 semaphore(%arg8 : memref<!tpu.dma_semaphore, #tpu.memory_space<semaphore_mem>>) src(%dma_wait3A_233 : memref<128x64xf32, #tpu.memory_space<vmem>>) dst(%dma_wait3A_229 : memref<128x64xf32, #tpu.memory_space<hbm>>)
    %dma_wait3A_234 = arith.constant 0 : i32
    %dma_wait3A_235 = arith.constant 0 : i32
    %dma_wait3A_236 = arith.constant 0 : i32
    %dma_wait3A_237 = tpu.memref_slice %arg6[%dma_wait3A_234, %dma_wait3A_235, %dma_wait3A_236] : memref<10x128x64xf32, #tpu.memory_space<vmem>> -> memref<1x128x64xf32, #tpu.memory_space<vmem>>
    %dma_wait3A_238 = tpu.memref_squeeze %dma_wait3A_237 : memref<1x128x64xf32, #tpu.memory_space<vmem>> -> memref<128x64xf32, #tpu.memory_space<vmem>>
    %dma_wait3A_239 = arith.constant 0 : i32
    %dma_wait3A_240 = tpu.memref_slice %arg4[%mul3A_2, %dma_wait3A_239] : memref<327680x64xf32, #tpu.memory_space<hbm>> -> memref<128x64xf32, #tpu.memory_space<hbm>>
    %dma_wait3A_241 = arith.constant 0 : i32
    %dma_wait3A_242 = tpu.memref_slice %arg4[%mul3A_2, %dma_wait3A_241] : memref<327680x64xf32, #tpu.memory_space<hbm>> -> memref<128x64xf32, #tpu.memory_space<hbm>>
    %dma_wait3A_243 = arith.constant 0 : i32
    %dma_wait3A_244 = arith.constant 0 : i32
    %dma_wait3A_245 = tpu.memref_slice %arg6[%dma_wait3A_234, %dma_wait3A_243, %dma_wait3A_244] : memref<10x128x64xf32, #tpu.memory_space<vmem>> -> memref<1x128x64xf32, #tpu.memory_space<vmem>>
    %dma_wait3A_246 = tpu.memref_squeeze %dma_wait3A_245 : memref<1x128x64xf32, #tpu.memory_space<vmem>> -> memref<128x64xf32, #tpu.memory_space<vmem>>
    tpu.wait_dma2 semaphore(%arg8 : memref<!tpu.dma_semaphore, #tpu.memory_space<semaphore_mem>>) src(%dma_wait3A_246 : memref<128x64xf32, #tpu.memory_space<vmem>>) dst(%dma_wait3A_242 : memref<128x64xf32, #tpu.memory_space<hbm>>)
    %dma_wait3A_247 = arith.constant 0 : i32
    %dma_wait3A_248 = arith.constant 0 : i32
    %dma_wait3A_249 = arith.constant 0 : i32
    %dma_wait3A_250 = tpu.memref_slice %arg6[%dma_wait3A_247, %dma_wait3A_248, %dma_wait3A_249] : memref<10x128x64xf32, #tpu.memory_space<vmem>> -> memref<1x128x64xf32, #tpu.memory_space<vmem>>
    %dma_wait3A_251 = tpu.memref_squeeze %dma_wait3A_250 : memref<1x128x64xf32, #tpu.memory_space<vmem>> -> memref<128x64xf32, #tpu.memory_space<vmem>>
    %dma_wait3A_252 = arith.constant 0 : i32
    %dma_wait3A_253 = tpu.memref_slice %arg4[%mul3A_2, %dma_wait3A_252] : memref<327680x64xf32, #tpu.memory_space<hbm>> -> memref<128x64xf32, #tpu.memory_space<hbm>>
    %dma_wait3A_254 = arith.constant 0 : i32
    %dma_wait3A_255 = tpu.memref_slice %arg4[%mul3A_2, %dma_wait3A_254] : memref<327680x64xf32, #tpu.memory_space<hbm>> -> memref<128x64xf32, #tpu.memory_space<hbm>>
    %dma_wait3A_256 = arith.constant 0 : i32
    %dma_wait3A_257 = arith.constant 0 : i32
    %dma_wait3A_258 = tpu.memref_slice %arg6[%dma_wait3A_247, %dma_wait3A_256, %dma_wait3A_257] : memref<10x128x64xf32, #tpu.memory_space<vmem>> -> memref<1x128x64xf32, #tpu.memory_space<vmem>>
    %dma_wait3A_259 = tpu.memref_squeeze %dma_wait3A_258 : memref<1x128x64xf32, #tpu.memory_space<vmem>> -> memref<128x64xf32, #tpu.memory_space<vmem>>
    tpu.wait_dma2 semaphore(%arg8 : memref<!tpu.dma_semaphore, #tpu.memory_space<semaphore_mem>>) src(%dma_wait3A_259 : memref<128x64xf32, #tpu.memory_space<vmem>>) dst(%dma_wait3A_255 : memref<128x64xf32, #tpu.memory_space<hbm>>)
    return
  }
}

</mosaic_0001>

<sc_bundles>
// kernel: _emb_lookup.3.cloned.1.call-start
scs
__scs_entry_jumppad:
0x0: {  	(pc) =	sbr.rel $0x88, $3  }
0x1: {  	(tag) =	ssettag $0x0;
	lr =	simm.s32 $0x1  }
0x2: {  	[smem:$0x3F9F] =	sst lr;
	_ =	strace $0xD0000000  }
0x3: {  	_ = 	snop  }
0x4: {  	_ = 	snop  }
0x5: {  	_ = 	snop  }
0x6: {  	_ = 	snop  }
0x7: {  	_ = 	snop  }
__scs_overlays_trampoline_lowered:
0x8: {  	[smem:$0x3FAE] =	sst s0  }
0x9: {  	[smem:$0x3FAF] =	sst s1  }
0xa: {  	[smem:$0x3FB0] =	sst s2  }
0xb: {  	[smem:$0x3FB1] =	sst s3  }
0xc: {  	[smem:$0x3FB2] =	sst s4  }
0xd: {  	[smem:$0x3FB3] =	sst s5  }
0xe: {  	[smem:$0x3FB4] =	sst s6  }
0xf: {  	[smem:$0x3FB5] =	sst s7  }
0x10: {  	[smem:$0x3FB6] =	sst s8  }
0x11: {  	[smem:$0x3FB7] =	sst s9;
	s0 =	simm.s32 @!p0 $0x0  }
0x12: {  	s1 =	sld [smem:$0x3F9D];
	s0 =	simm.s32 @p0 $0x1  }
0x13: {  	[smem:$0x3FB8] =	sst s0;
	s0 =	simm.s32 @!p1 $0x0  }
0x14: {  	s2 =	sld [smem:$0x3F9C];
	s0 =	simm.s32 @p1 $0x1  }
0x15: {  	[smem:$0x3FB9] =	sst s0;
	s0 =	simm.s32 @!p2 $0x0  }
0x16: {  	s3 =	sld [smem:$0x3FDB];
	s0 =	simm.s32 @p2 $0x1  }
0x17: {  	s4 =	simm.s32 $0x1BF5;
	[smem:$0x3FBB] =	sst s0  }
0x18: {  	s0 =	sld [smem:$0x3F9E];
	_ =	swait.ge [sflag:s4], $0x0  }
0x19: {  	s7 =	sld [smem:$0x3F9F]  }
0x1a: {  	s8 =	sadd.s32 $0xFFFFE003, lr  }
0x1b: {  	s9 =	sadd.s32 $0xFFFFFEF7, lr;
	s5 =	simm.s32 $0xFFFFFFFF;
	p2 =	slt.u32 s8, $0xFFFFF086  }
0x1c: {  	p1 =	slt.u32 s9, $0xF7A;
	s5 =	simm.s32 @!p2 $0x0  }
0x1d: {  	s5 =	simm.s32 @p1 $0x1;
	p0 =	seq.s32 s7, s2  }
0x1e: {  	s7 =	smul.u32 @!p0 $0xF7A, s2;
	p2 =	seq.s32 @!p0 s5, $0x0  }
0x1f: {  	s9 =	smul.u32 $0xF7A, s1;
	s8 =	simm.s32 @!p0 $0x1BF5;
	p2 =	por !p2, p0  }
0x20: {  	[sflag:s8] =	ssyncset.s32 @!p0 $0xFFFFF086;
	s6 =	sadd.s32 @!p0 s3, s7;
	s7 =	simm.s32 @!p0 $0x108  }
0x21: {  	s3 =	sadd.s32 s3, s9;
	s6 =	sadd.s32 @!p0 $0x88, s6;
	s7 =	simm.s32 @p2 $0x1082  }
0x22: {  	[simem:s7], [sflag:s8] =	dma.local @!p0 [hbm:s6], $0xF7A  }
0x23: {  	s9 =	sor.u32 $0xD0000000, s2;
	s6 =	simm.s32 $0x108;
	_ =	swait.ge @!p0 [sflag:s8], $0x0  }
0x24: {  	s3 =	sadd.s32 $0x88, s3;
	s6 =	simm.s32 @!p1 $0x1082;
	[sflag:s4] =	ssyncset.s32 $0xFFFFF086  }
0x25: {  	[simem:s6], [sflag:s4] =	dma.local [hbm:s3], $0xF7A  }
0x26: {  	[smem:$0x3F9F] =	sst s1;
	(tag) =	ssettag s2;
	_ =	strace s9  }
0x27: {  	s1 =	sld [smem:$0x3FAF]  }
0x28: {  	s2 =	sld [smem:$0x3FB0]  }
0x29: {  	s4 =	sld [smem:$0x3FB2]  }
0x2a: {  	p0 =	seq.s32 s5, $0x0;
	s5 =	sld [smem:$0x3FB3]  }
0x2b: {  	s6 =	sld [smem:$0x3FB4]  }
0x2c: {  	s7 =	sld [smem:$0x3FB5]  }
0x2d: {  	s3 =	simm.s32 $0x108;
	s8 =	sld [smem:$0x3FB6]  }
0x2e: {  	s3 =	simm.s32 @!p0 $0x1082;
	s9 =	sld [smem:$0x3FB7]  }
0x2f: {  	lr =	sadd.s32 s0, s3;
	s0 =	sld [smem:$0x3FAE]  }
0x30: {  	s3 =	sld [smem:$0x3FB1]  }
0x31: {  	[smem:$0x3FBA] =	sst s10  }
0x32: {  	s10 =	sld [smem:$0x3FB8];
	_ =	sdelay $0x3  }
0x33: {  	p0 =	seq.s32 s10, $0x1;
	s10 =	sld [smem:$0x3FBA];
	_ =	sdelay $0x3  }
0x34: {  	[smem:$0x3FBA] =	sst s10  }
0x35: {  	s10 =	sld [smem:$0x3FB9];
	_ =	sdelay $0x3  }
0x36: {  	p1 =	seq.s32 s10, $0x1;
	s10 =	sld [smem:$0x3FBA];
	_ =	sdelay $0x3  }
0x37: {  	[smem:$0x3FBA] =	sst s10  }
0x38: {  	s10 =	sld [smem:$0x3FBB]  }
0x39: {  	_ = 	snop;
	(pc) =	sbr.ind lr, $3  }
0x3a: {  	_ = 	snop  }
0x3b: {  	_ = 	snop  }
0x3c: {  	p2 =	seq.s32 s10, $0x1;
	s10 =	sld [smem:$0x3FBA]  }
0x3d: {  	_ =	shalt  }
0x3e: {  	_ =	shalt  }
0x3f: {  	_ =	shalt  }
0x40: {  	_ =	shalt  }
0x41: {  	_ =	shalt  }
0x42: {  	_ =	shalt  }
0x43: {  	_ =	shalt  }
0x44: {  	_ =	shalt  }
0x45: {  	_ =	shalt  }
0x46: {  	_ =	shalt  }
0x47: {  	_ =	shalt  }
0x48: {  	_ =	shalt  }
0x49: {  	_ =	shalt  }
0x4a: {  	_ =	shalt  }
0x4b: {  	_ =	shalt  }
0x4c: {  	_ =	shalt  }
0x4d: {  	_ =	shalt  }
0x4e: {  	_ =	shalt  }
0x4f: {  	_ =	shalt  }
0x50: {  	_ =	shalt  }
0x51: {  	_ =	shalt  }
0x52: {  	_ =	shalt  }
0x53: {  	_ =	shalt  }
0x54: {  	_ =	shalt  }
0x55: {  	_ =	shalt  }
0x56: {  	_ =	shalt  }
0x57: {  	_ =	shalt  }
0x58: {  	_ =	shalt  }
0x59: {  	_ =	shalt  }
0x5a: {  	_ =	shalt  }
0x5b: {  	_ =	shalt  }
0x5c: {  	_ =	shalt  }
0x5d: {  	_ =	shalt  }
0x5e: {  	_ =	shalt  }
0x5f: {  	_ =	shalt  }
0x60: {  	_ =	shalt  }
0x61: {  	_ =	shalt  }
0x62: {  	_ =	shalt  }
0x63: {  	_ =	shalt  }
0x64: {  	_ =	shalt  }
0x65: {  	_ =	shalt  }
0x66: {  	_ =	shalt  }
0x67: {  	_ =	shalt  }
0x68: {  	_ =	shalt  }
0x69: {  	_ =	shalt  }
0x6a: {  	_ =	shalt  }
0x6b: {  	_ =	shalt  }
0x6c: {  	_ =	shalt  }
0x6d: {  	_ =	shalt  }
0x6e: {  	_ =	shalt  }
0x6f: {  	_ =	shalt  }
0x70: {  	_ =	shalt  }
0x71: {  	_ =	shalt  }
0x72: {  	_ =	shalt  }
0x73: {  	_ =	shalt  }
0x74: {  	_ =	shalt  }
0x75: {  	_ =	shalt  }
0x76: {  	_ =	shalt  }
0x77: {  	_ =	shalt  }
0x78: {  	_ =	shalt  }
0x79: {  	_ =	shalt  }
0x7a: {  	_ =	shalt  }
0x7b: {  	_ =	shalt  }
0x7c: {  	_ =	shalt  }
0x7d: {  	_ =	shalt  }
0x7e: {  	_ =	shalt  }
0x7f: {  	_ =	shalt  }
0x80: {  	_ =	shalt  }
0x81: {  	_ =	shalt  }
0x82: {  	_ =	shalt  }
0x83: {  	_ =	shalt  }
0x84: {  	_ =	shalt  }
0x85: {  	_ =	shalt  }
0x86: {  	_ =	shalt  }
0x87: {  	_ =	shalt  }
.Lfunc_end0:
.L_simem_size_0:
called_computation.1_lowered:
.L_overlay_start_0:
0x88: {  	s2 =	sld [smem:$0x3FD9]  }
0x89: {  	s3 =	sld [smem:$0x3FFE];
	_ =	sdelay $0x1  }
0x8a: {  	s1 =	srdreg.scid  }
0x8b: {  	s0 =	sand.u32 $0x1, s1  }
0x8c: {  	s17 =	sshll.u32 s0, $0xA;
	s2 =	sadd.s32 s3, s2  }
0x8d: {  	s2 =	sadd.s32 s2, s17  }
0x8e: {  	[smem:$0x3FC6] =	sst s2  }
0x8f: {  	_ = 	snop  }
0x90: {  	s2 =	sld [smem:$0x3FC9]  }
0x91: {  	s18 =	sld [smem:$0x3FD0];
	(tm) =	ssettm $0x1  }
0x92: {  	s4 =	sld [smem:$0x3FFB];
	_ =	sdelay $0x3  }
0x93: {  	_ =	strace s4  }
0x94: {  	s4 =	sld [smem:$0x3FFC];
	_ =	sdelay $0x3  }
0x95: {  	_ =	strace s4  }
0x96: {  	s4 =	sld [smem:$0x3FFD];
	_ =	sdelay $0x3  }
0x97: {  	_ =	strace s4  }
0x98: {  	_ =	strace $0x8FFFFFFF  }
0x99: {  	s19 =	sld [smem:$0x3FDB];
	_ =	sdelay $0x1  }
0x9a: {  	s5 =	simm.s32 $_scs_section_size  }
0x9b: {  	s6 =	simm.s32 $_size__tile_overlayer_lowered;
	s7 =	simm.s32 $_tile_overlayer_lowered  }
0x9c: {  	s22 =	simm.s32 $0x1BFF;
	s21 =	sshll.u32 s7, $0x1;
	s4 =	sadd.s32 s5, s19  }
0x9d: {  	s8 =	simm.s32 $0x0;
	s20 =	sshll.u32 s6, $0x1;
	s6 =	sadd.s32 s21, s4  }
0x9e: {  	[timem:s8], [sflag:s22] =	dma.local [hbm:s6], s20  }
0x9f: {  	_ =	swait.ge [sflag:s22], s20  }
0xa0: {  	s5 =	ssub.s32 $0x0, s20;
	[sflag:s22] =	ssyncset.done $0x0  }
0xa1: {  	[sflag:s22] =	ssyncadd.s32 s5;
	_ =	sdelay $0x1  }
0xa2: {  	s23 =	simm.s32 $0x1B8B  }
0xa3: {  	_ =	swait.ge [sflag:s23], $0x1  }
0xa4: {  	[sflag:s23] =	ssyncset.done $0x0  }
0xa5: {  	s25 =	simm.s32 $0x1B8E;
	s24 =	sld [smem:$0x3FFE];
	[sflag:s23] =	ssyncadd.s32 $0xFFFFFFFF  }
0xa6: {  	s26 =	simm.s32 $execute0_lowered;
	[smem:$0x3FD2] =	sst s25  }
0xa7: {  	s6 =	sshll.u32 s26, $0x1;
	_ =	strace $0x80000046;
	[dreg:$0x1] =	wrdreg $0xFFFFFFFF  }
0xa8: {  	s28 =	simm.s32 $_size_execute0_lowered;
	s4 =	sadd.s32 s4, s6;
	[dreg:$0x0] =	wrdreg $0x0  }
0xa9: {  	s6 =	sshll.u32 s28, $0x1;
	[dreg:$0x2] =	wrdreg s4  }
0xaa: {  	[dreg:$0x3] =	wrdreg s6  }
0xab: {  	[dreg:$0x4] =	wrdreg $0xC0  }
0xac: {  	_ =	task [dreg:s8], $0x5FFFF  }
0xad: {  	[dreg:$0x1] =	wrdreg $0xFFFFFFFF  }
0xae: {  	[dreg:$0x0] =	wrdreg $0x60  }
0xaf: {  	[dreg:$0x2] =	wrdreg s2  }
0xb0: {  	[dreg:$0x3] =	wrdreg s24  }
0xb1: {  	[dreg:$0x4] =	wrdreg s18  }
0xb2: {  	[dreg:$0x5] =	wrdreg $0x9  }
0xb3: {  	_ =	task.clear_ibuf [dreg:s8], $0x6FFFF;
	_ =	strace $0x90000046  }
0xb4: {  	s29 =	simm.s32 $0x9;
	_ =	strace $0x80000048  }
0xb5: {  	_ =	swait.ge [sflag:s29], $0x1  }
0xb6: {  	[sflag:s29] =	ssyncadd.s32 $0xFFFFFFFF  }
0xb7: {  	_ =	strace $0x90000048  }
0xb8: {  	_ =	sfence  }
0xb9: {  	s30 =	sld [smem:$0x0];
	_ =	sdelay $0x2  }
0xba: {  	s31 =	sshll.u32 s1, $0xD;
	s1 =	sshrl.u32 s1, $0x2  }
0xbb: {  	s3 =	sand.u32 $0x4000, s31;
	s1 =	sadd.s32 s1, s30  }
0xbc: {  	s0 =	sor.u32 s3, s0;
	s1 =	sshll.u32 s1, $0x11  }
0xbd: {  	s0 =	sor.u32 s1, s0  }
0xbe: {  	s0 =	sadd.s32 $0x8F2B, s0  }
0xbf: {  	[sflag:s0] =	ssyncadd.remote.s32 $0x1  }
0xc0: {  	_ =	sfence.sel $0xFFFF  }
0xc1: {  	[dreg:$0x0] =	wrdreg $0xFFFFFFFF;
	(pc) =	sbr.abs _section_cstart, $3  }
0xc2: {  	[dreg:$0x1] =	wrdreg $0xFFFFFFFF  }
0xc3: {  	_ =	task.clear_ibuf [dreg:s8], $0x2FFFF;
	_ =	strace $0x9FFFFFFF  }
0xc4: {  	(tm) =	ssettm $0x7FFFFFFF  }
0xc5: {  	_ =	shalt  }
tec
execute0_lowered:
.L_overlay_start_1:
0x0: {  	(tag) =	ssettag $0x1  }
0x1: {  	s0 =	rddreg [dreg:$0x0]  }
0x2: {  	s1 =	rddreg [dreg:$0x1]  }
0x3: {  	s9 =	rddreg [dreg:$0x2];
	s8 =	stileid.u32  }
0x4: {  	s2 =	srdreg.scid;
	s10 =	smul.u32 $0x28000, s8  }
0x5: {  	s3 =	simm.s32 $0x0;
	s2 =	sand.u32 $0x1, s2;
	s19 =	smul.u32 $0x140000, s8  }
0x6: {  	s28 =	simm.s32 $0x1;
	s4 =	sshll.u32 s8, $0x1;
	s20 =	smul.u32 $0xA0000, s2  }
0x7: {  	s5 =	sor.u32 s2, s4;
	s6 =	ssub.s32 $0x2, s2;
	s2 =	smul.u32 $0x14000, s2  }
0x8: {  	s30 =	simm.s32 $0x2;
	[smem:$0x7FF] =	sst s3;
	s7 =	smul.u32 $0x2800, s5  }
0x9: {  	_ =	strace $0x80000047;
	s16 =	sshrl.u32 s6, $0x1;
	s5 =	smul.u32 $0xA0000, s5  }
0xa: {  	s4 =	sadd.s32 $0xF80800, s1;
	s1 =	ssub.s32 s6, s16;
	s21 =	sadd.s32 s20, s19  }
0xb: {  	s11 =	sadd.s32 s2, s10;
	s17 =	sshrl.u32 s7, $0x3;
	s18 =	sshrl.u32 s5, $0x3  }
0xc: {  	s1 =	smax.u32 s1, $0x1;
	s22 =	sor.u32 $0x10000, s21;
	s23 =	sor.u32 $0xE000, s21  }
0xd: {  	s24 =	sor.u32 $0xC000, s21;
	s25 =	sor.u32 $0xA000, s21;
	s26 =	sor.u32 $0x8000, s21  }
0xe: {  	s29 =	sor.u32 $0x6000, s21;
	s31 =	sor.u32 $0x4000, s21;
	s0 =	sadd.s32 s0, s17  }
0xf: {  	[dreg:$0x5] =	wrdreg s1;
	s1 =	sor.u32 $0x12000, s21;
	s13 =	sshrl.u32 s22, $0x3  }
0x10: {  	s14 =	sshrl.u32 s23, $0x3;
	s15 =	sshrl.u32 s24, $0x3;
	s16 =	sshrl.u32 s25, $0x3  }
0x11: {  	s17 =	sshrl.u32 s26, $0x3;
	s19 =	sshrl.u32 s31, $0x3;
	s22 =	simm.s32 $0x80  }
.Ltmp0:
0x12: {  	[dreg:$0x4] =	wrdreg s0;
	s0 =	sadd.s32 s9, s18;
	(pc) =	sbr.rel .LBB2_1-.Ltmp0, $4  }
0x13: {  	s25 =	simm.s32 $0xE800;
	s1 =	sshrl.u32 s1, $0x3;
	s7 =	sadd.s32 $0x12400, s0  }
0x14: {  	s8 =	sadd.s32 $0x12C00, s0;
	s9 =	sadd.s32 $0x13400, s0;
	s0 =	sadd.s32 $0x13C00, s0  }
0x15: {  	s18 =	sshrl.u32 s29, $0x3;
	[dreg:$0x6] =	wrdreg s0;
	s0 =	sor.u32 $0x2000, s21  }
0x16: {  	[dreg:$0x7] =	wrdreg s1;
	s1 =	simm.s32 $0x0;
	s20 =	sshrl.u32 s0, $0x3  }
.LBB2_6:
0x17: {  	_ =	swait.ge [sflag:s28], $0x2000  }
0x18: {  	[sflag:s28] =	ssyncset.done $0x0  }
0x19: {  	s1 =	simm.s32 $0x14800;
	s0 =	rddreg [dreg:$0x6];
	[sflag:s28] =	ssyncadd.s32 $0xFFFFE000  }
0x1a: {  	[hbm4b:s0+s3] =	stream.linear.scatter [tilespmem:s1], [sflag:$0x2], $0x2000, $0x38;
	[tilespmem:$0x16800] =	vst v63  }
0x1b: {  	_ =	swait.ge [sflag:s30], $0x2000  }
0x1c: {  	[sflag:s30] =	ssyncset.done $0x0  }
0x1d: {  	[sflag:s30] =	ssyncadd.s32 $0xFFFFE000  }
0x1e: {  	_ =	swait.ge [sflag:s30], $0x2000  }
0x1f: {  	[sflag:s30] =	ssyncset.done $0x0  }
0x20: {  	[sflag:s30] =	ssyncadd.s32 $0xFFFFE000  }
0x21: {  	_ =	swait.ge [sflag:s30], $0x2000  }
0x22: {  	[sflag:s30] =	ssyncset.done $0x0  }
0x23: {  	[sflag:s30] =	ssyncadd.s32 $0xFFFFE000  }
0x24: {  	_ =	swait.ge [sflag:s30], $0x2000  }
0x25: {  	[sflag:s30] =	ssyncset.done $0x0  }
0x26: {  	[sflag:s30] =	ssyncadd.s32 $0xFFFFE000  }
0x27: {  	_ =	swait.ge [sflag:s30], $0x2000  }
0x28: {  	[sflag:s30] =	ssyncset.done $0x0  }
0x29: {  	[sflag:s30] =	ssyncadd.s32 $0xFFFFE000  }
0x2a: {  	_ =	swait.ge [sflag:s30], $0x2000  }
0x2b: {  	[sflag:s30] =	ssyncset.done $0x0  }
0x2c: {  	[sflag:s30] =	ssyncadd.s32 $0xFFFFE000  }
0x2d: {  	_ =	swait.ge [sflag:s30], $0x2000  }
0x2e: {  	[sflag:s30] =	ssyncset.done $0x0  }
0x2f: {  	[sflag:s30] =	ssyncadd.s32 $0xFFFFE000  }
0x30: {  	_ =	swait.ge [sflag:s30], $0x2000  }
0x31: {  	[sflag:s30] =	ssyncset.done $0x0  }
0x32: {  	[sflag:s30] =	ssyncadd.s32 $0xFFFFE000  }
0x33: {  	_ =	swait.ge [sflag:s30], $0x2000  }
0x34: {  	[sflag:s30] =	ssyncset.done $0x0  }
0x35: {  	[sflag:s30] =	ssyncadd.s32 $0xFFFFE000  }
0x36: {  	_ =	swait.ge [sflag:s30], $0x2000  }
0x37: {  	s29 =	rddreg [dreg:$0x8]  }
0x38: {  	s31 =	rddreg [dreg:$0x5];
	s1 =	sadd.s32 $0x1, s29  }
0x39: {  	p0 =	sne.s32 s1, s31  }
.Ltmp1:
0x3a: {  	_ = 	snop;
	(pc) =	sbr.rel @!p0 .LBB2_7-.Ltmp1, $3  }
0x3b: {  	_ =	sdelay $0x1  }
0x3c: {  	[sflag:s30] =	ssyncset.done $0x0  }
0x3d: {  	[sflag:s30] =	ssyncadd.s32 $0xFFFFE000  }
.LBB2_1:
0x3e: {  	[dreg:$0x8] =	wrdreg s1  }
0x3f: {  	s0 =	rddreg [dreg:$0x4];
	s31 =	simm.s32 $0x3  }
0x40: {  	[tilespmem:s3], [sflag:$0x3] =	stream.linear.gather [hbm4b:s0+s3], $0x2800, $0x38;
	[tilespmem:$0x16800] =	vst v63  }
0x41: {  	_ =	swait.ge [sflag:s31], $0x2800  }
0x42: {  	[sflag:s31] =	ssyncset.done $0x0  }
0x43: {  	s5 =	simm.s32 $0x0;
	[sflag:s31] =	ssyncadd.s32 $0xFFFFD800  }
0x44: {  	v0 =	vld [tilespmem:s5+$0x0]  }
0x45: {  	v1 =	vld [tilespmem:s5+$0x10]  }
0x46: {  	v5 =	vld [tilespmem:s5+$0x30];
	_ =	sdelay $0x2  }
0x47: {  	v2 =	vshll.u32 v0, $0x1  }
0x48: {  	v3 =	vld [tilespmem:s5+$0x20];
	v4 =	vand.u32 $0xFFFF8000, v0;
	v0 =	vshrl.u32 v0, $0xE;
	v6 =	vand.u32 $0xFFFF8000, v1  }
0x49: {  	v7 =	vshll.u32 v5, $0x1;
	v9 =	vand.u32 $0xFFFF8000, v5;
	v5 =	vshrl.u32 v5, $0xE  }
0x4a: {  	v2 =	vand.u32 $0x7FFE, v2;
	v0 =	vand.u32 $0x1, v0;
	v7 =	vand.u32 $0x7FFE, v7  }
0x4b: {  	v8 =	vld [tilespmem:s5+$0x40];
	v10 =	vand.u32 $0x1, v5;
	v2 =	vor.u32 v4, v2;
	v4 =	vshll.u32 v1, $0x1  }
0x4c: {  	v1 =	vshrl.u32 v1, $0xE;
	v7 =	vor.u32 v9, v7;
	v4 =	vand.u32 $0x7FFE, v4  }
0x4d: {  	v5 =	vld [tilespmem:s5+$0x50];
	v0 =	vor.u32 v0, v2;
	v2 =	vor.u32 v6, v4;
	v6 =	vshll.u32 v3, $0x1  }
0x4e: {  	v4 =	vand.u32 $0xFFFF8000, v3;
	v3 =	vshrl.u32 v3, $0xE;
	v6 =	vand.u32 $0x7FFE, v6  }
0x4f: {  	v1 =	vand.u32 $0x1, v1;
	v3 =	vand.u32 $0x1, v3;
	v6 =	vor.u32 v4, v6  }
0x50: {  	v4 =	vor.u32 v1, v2;
	v1 =	vor.u32 v10, v7;
	v2 =	vld [tilespmem:s5+$0x60];
	v7 =	vshll.u32 v8, $0x1  }
0x51: {  	s6 =	simm.s32 $0x200;
	v3 =	vor.u32 v3, v6;
	v6 =	vand.u32 $0xFFFF8000, v8;
	v8 =	vshrl.u32 v8, $0xE  }
.LBB2_2:
0x52: {  	p0 =	sne.s32 s6, $0x9E00;
	v7 =	vand.u32 $0x7FFE, v7;
	v8 =	vand.u32 $0x1, v8;
	v9 =	vshll.u32 v5, $0x1;
	v10 =	vld [tilespmem:s5+$0x70]  }
0x53: {  	v11 =	vand.u32 $0xFFFF8000, v5;
	v5 =	vshrl.u32 v5, $0xE;
	v9 =	vand.u32 $0x7FFE, v9  }
0x54: {  	s1 =	sshra.s32 s6, $0x2;
	v5 =	vand.u32 $0x1, v5;
	[tilespmem:s5+$0x0] =	vst v0;
	v0 =	vor.u32 v6, v7;
	v6 =	vor.u32 v11, v9  }
0x55: {  	v7 =	vld [tilespmem:s1+$0x0];
	[tilespmem:s5+$0x10] =	vst v4;
	v0 =	vor.u32 v8, v0;
	v4 =	vor.u32 v5, v6;
	v5 =	vshll.u32 v2, $0x1  }
0x56: {  	[tilespmem:s5+$0x20] =	vst v3;
	v3 =	vand.u32 $0xFFFF8000, v2;
	v5 =	vand.u32 $0x7FFE, v5;
	v2 =	vshrl.u32 v2, $0xE  }
0x57: {  	v6 =	vld [tilespmem:s1+$0x10];
	[tilespmem:s5+$0x30] =	vst v1;
	v1 =	vand.u32 $0x1, v2;
	v2 =	vor.u32 v3, v5;
	v3 =	vshll.u32 v10, $0x1  }
0x58: {  	v5 =	vshrl.u32 v10, $0xE;
	[tilespmem:s5+$0x40] =	vst v0;
	v0 =	vand.u32 $0xFFFF8000, v10;
	v3 =	vand.u32 $0x7FFE, v3  }
0x59: {  	v1 =	vor.u32 v1, v2;
	v2 =	vand.u32 $0x1, v5;
	[tilespmem:s5+$0x50] =	vst v4;
	v0 =	vor.u32 v0, v3  }
0x5a: {  	v3 =	vshll.u32 v7, $0x1;
	v4 =	vld [tilespmem:s1+$0x20];
	[tilespmem:s5+$0x60] =	vst v1;
	v0 =	vor.u32 v2, v0  }
0x5b: {  	v1 =	vand.u32 $0xFFFF8000, v7;
	v2 =	vand.u32 $0x7FFE, v3;
	v3 =	vshrl.u32 v7, $0xE;
	v7 =	vld [tilespmem:s1+$0x30];
	[tilespmem:s5+$0x70] =	vst v0;
	s5 =	smov.u32 s1  }
0x5c: {  	v0 =	vand.u32 $0x1, v3;
	v1 =	vor.u32 v1, v2;
	v2 =	vshll.u32 v6, $0x1  }
0x5d: {  	v3 =	vand.u32 $0xFFFF8000, v6;
	v5 =	vshrl.u32 v6, $0xE;
	v2 =	vand.u32 $0x7FFE, v2  }
0x5e: {  	v0 =	vor.u32 v0, v1;
	v1 =	vand.u32 $0x1, v5;
	v2 =	vor.u32 v3, v2  }
0x5f: {  	v3 =	vand.u32 $0xFFFF8000, v4;
	v5 =	vshll.u32 v4, $0x1;
	v4 =	vshrl.u32 v4, $0xE;
	v8 =	vld [tilespmem:s5+$0x40]  }
.Ltmp2:
0x60: {  	v6 =	vand.u32 $0x7FFE, v5;
	v9 =	vand.u32 $0x1, v4;
	v4 =	vshll.u32 v7, $0x1;
	v5 =	vld [tilespmem:s5+$0x50];
	(pc) =	sbr.rel @p0 .LBB2_2-.Ltmp2, $4  }
0x61: {  	v10 =	vand.u32 $0xFFFF8000, v7;
	v7 =	vshrl.u32 v7, $0xE;
	v4 =	vand.u32 $0x7FFE, v4  }
0x62: {  	v3 =	vor.u32 v3, v6;
	v6 =	vand.u32 $0x1, v7;
	v7 =	vor.u32 v10, v4  }
0x63: {  	v4 =	vor.u32 v1, v2;
	v3 =	vor.u32 v9, v3;
	v1 =	vor.u32 v6, v7;
	v2 =	vld [tilespmem:s5+$0x60]  }
0x64: {  	s6 =	sadd.s32 $0x200, s6;
	v6 =	vand.u32 $0xFFFF8000, v8;
	v7 =	vshll.u32 v8, $0x1;
	v8 =	vshrl.u32 v8, $0xE  }
0x65: {  	v7 =	vand.u32 $0x7FFE, v7;
	v8 =	vand.u32 $0x1, v8;
	v9 =	vshll.u32 v5, $0x1;
	v10 =	vld [tilespmem:s5+$0x70]  }
0x66: {  	v11 =	vand.u32 $0xFFFF8000, v5;
	v51 =	vshrl.u32 v5, $0xE;
	v9 =	vand.u32 $0x7FFE, v9  }
0x67: {  	[tilespmem:s5+$0x0] =	vst v0;
	v52 =	vor.u32 v6, v7;
	v5 =	vand.u32 $0x1, v51;
	v53 =	vor.u32 v11, v9  }
0x68: {  	[tilespmem:s5+$0x10] =	vst v4;
	v0 =	vor.u32 v8, v52;
	v54 =	vor.u32 v5, v53;
	v55 =	vshll.u32 v2, $0x1  }
0x69: {  	[tilespmem:s5+$0x20] =	vst v3;
	v56 =	vand.u32 $0xFFFF8000, v2;
	v57 =	vshrl.u32 v2, $0xE;
	v5 =	vand.u32 $0x7FFE, v55  }
0x6a: {  	[tilespmem:s5+$0x30] =	vst v1;
	v58 =	vand.u32 $0x1, v57;
	v59 =	vor.u32 v56, v5;
	v60 =	vshll.u32 v10, $0x1  }
0x6b: {  	[tilespmem:s5+$0x40] =	vst v0;
	v61 =	vand.u32 $0xFFFF8000, v10;
	v62 =	vshrl.u32 v10, $0xE;
	v3 =	vand.u32 $0x7FFE, v60  }
0x6c: {  	[tilespmem:s5+$0x50] =	vst v54;
	v1 =	vor.u32 v58, v59;
	v63 =	vand.u32 $0x1, v62;
	v0 =	vor.u32 v61, v3  }
0x6d: {  	[tilespmem:s5+$0x60] =	vst v1;
	v0 =	vor.u32 v63, v0  }
0x6e: {  	s0 =	simm.s32 $0x2800;
	[tilespmem:s5+$0x70] =	vst v0;
	s5 =	simm.s32 $0x0  }
0x6f: {  	[tilespmem:s0], [sflag:$0x1] =	stream.indirect.gather [hbm4b:s4+s22], $0x40, s5, s22, $0xb8;
	[tilespmem:$0x16800] =	vst v63  }
0x70: {  	s24 =	simm.s32 $0x4800  }
0x71: {  	[tilespmem:s24], [sflag:$0x1] =	stream.indirect.gather [hbm4b:s4+s22], $0x40, s22, s22, $0xb8;
	[tilespmem:$0x16800] =	vst v63  }
0x72: {  	s26 =	simm.s32 $0x100;
	s1 =	simm.s32 $0x6800  }
0x73: {  	[tilespmem:s1], [sflag:$0x1] =	stream.indirect.gather [hbm4b:s4+s22], $0x40, s26, s22, $0xb8;
	[tilespmem:$0x16800] =	vst v63  }
0x74: {  	s29 =	simm.s32 $0x180;
	s31 =	simm.s32 $0x8800  }
0x75: {  	[tilespmem:s31], [sflag:$0x1] =	stream.indirect.gather [hbm4b:s4+s22], $0x40, s29, s22, $0xb8;
	[tilespmem:$0x16800] =	vst v63  }
0x76: {  	s2 =	simm.s32 $0xA800;
	s1 =	simm.s32 $0x200  }
0x77: {  	[tilespmem:s2], [sflag:$0x1] =	stream.indirect.gather [hbm4b:s4+s22], $0x40, s1, s22, $0xb8;
	[tilespmem:$0x16800] =	vst v63  }
0x78: {  	s6 =	simm.s32 $0x280;
	s10 =	simm.s32 $0xC800  }
0x79: {  	[tilespmem:s10], [sflag:$0x1] =	stream.indirect.gather [hbm4b:s4+s22], $0x40, s6, s22, $0xb8;
	[tilespmem:$0x16800] =	vst v63  }
0x7a: {  	s12 =	simm.s32 $0x300  }
0x7b: {  	[tilespmem:s25], [sflag:$0x1] =	stream.indirect.gather [hbm4b:s4+s22], $0x40, s12, s22, $0xb8;
	[tilespmem:$0x16800] =	vst v63  }
0x7c: {  	s21 =	simm.s32 $0x380;
	s23 =	simm.s32 $0x10800  }
0x7d: {  	[tilespmem:s23], [sflag:$0x1] =	stream.indirect.gather [hbm4b:s4+s22], $0x40, s21, s22, $0xb8;
	[tilespmem:$0x16800] =	vst v63  }
0x7e: {  	s24 =	simm.s32 $0x400;
	s26 =	simm.s32 $0x12800;
	s29 =	simm.s32 $0x480  }
0x7f: {  	[tilespmem:s26], [sflag:$0x1] =	stream.indirect.gather [hbm4b:s4+s22], $0x40, s24, s22, $0xb8;
	[tilespmem:$0x16800] =	vst v63  }
0x80: {  	s31 =	simm.s32 $0x14800;
	s6 =	simm.s32 $0xFFFFFFFE;
	s10 =	rddreg [dreg:$0x2]  }
0x81: {  	[tilespmem:s31], [sflag:$0x1] =	stream.indirect.gather [hbm4b:s4+s22], $0x40, s29, s22, $0xb8;
	[tilespmem:$0x16800] =	vst v63  }
.LBB2_4:
0x82: {  	_ =	swait.ge [sflag:s28], $0x2000  }
0x83: {  	s1 =	sadd.s32 s10, s11;
	[sflag:s28] =	ssyncset.done $0x0  }
0x84: {  	s0 =	simm.s32 $0x2800;
	p0 =	sgt.u32 s6, $0x45;
	[sflag:s28] =	ssyncadd.s32 $0xFFFFE000  }
0x85: {  	[hbm4b:s1+s3] =	stream.linear.scatter [tilespmem:s0], [sflag:$0x2], $0x2000, $0x38;
	[tilespmem:$0x16800] =	vst v63  }
0x86: {  	s1 =	simm.s32 @!p0 $0x2  }
0x87: {  	_ =	swait.ge @!p0 [sflag:s1], $0x2000  }
0x88: {  	[sflag:s1] =	ssyncset.done @!p0 $0x0  }
0x89: {  	[sflag:s1] =	ssyncadd.s32 @!p0 $0xFFFFE000;
	s1 =	sshra.s32 @!p0 s5, $0x2  }
0x8a: {  	s21 =	simm.s32 @!p0 $0x80;
	s23 =	simm.s32 @!p0 $0x12800;
	s1 =	sadd.s32 @!p0 $0x400, s1  }
0x8b: {  	[tilespmem:s23], [sflag:$0x1] =	stream.indirect.gather @!p0 [hbm4b:s4+s21], $0x40, s1, s21, $0xb8;
	[tilespmem:$0x16800] =	vst v63  }
0x8c: {  	_ =	swait.ge [sflag:s28], $0x2000  }
0x8d: {  	s29 =	sadd.s32 s10, s20;
	p0 =	seq.s32 s5, $0x0;
	[sflag:s28] =	ssyncset.done $0x0  }
0x8e: {  	s31 =	simm.s32 $0x4800;
	s1 =	simm.s32 @!p0 $0x2;
	[sflag:s28] =	ssyncadd.s32 $0xFFFFE000  }
0x8f: {  	[hbm4b:s29+s3] =	stream.linear.scatter [tilespmem:s31], [sflag:$0x2], $0x2000, $0x38;
	[tilespmem:$0x16800] =	vst v63  }
0x90: {  	_ =	swait.ge @!p0 [sflag:s1], $0x2000  }
0x91: {  	[sflag:s1] =	ssyncset.done @!p0 $0x0  }
0x92: {  	[sflag:s1] =	ssyncadd.s32 @!p0 $0xFFFFE000;
	s1 =	sshra.s32 @!p0 s5, $0x2  }
0x93: {  	s21 =	simm.s32 @!p0 $0x80;
	s23 =	simm.s32 @!p0 $0x14800;
	s1 =	sadd.s32 @!p0 $0x480, s1  }
0x94: {  	[tilespmem:s23], [sflag:$0x1] =	stream.indirect.gather @!p0 [hbm4b:s4+s21], $0x40, s1, s21, $0xb8;
	[tilespmem:$0x16800] =	vst v63  }
0x95: {  	_ =	swait.ge [sflag:s28], $0x2000  }
0x96: {  	s2 =	simm.s32 $0x6800;
	p0 =	seq.s32 s5, $0x8C00;
	[sflag:s28] =	ssyncset.done $0x0  }
0x97: {  	s0 =	sadd.s32 s10, s19;
	s29 =	simm.s32 @p0 $0x1;
	[sflag:s28] =	ssyncadd.s32 $0xFFFFE000  }
0x98: {  	[hbm4b:s0+s3] =	stream.linear.scatter [tilespmem:s2], [sflag:$0x2], $0x2000, $0x38;
	[tilespmem:$0x16800] =	vst v63  }
0x99: {  	_ =	swait.ge @p0 [sflag:s29], $0x2000  }
0x9a: {  	s24 =	simm.s32 @p0 $0x0;
	[sflag:s29] =	ssyncset.done @p0 $0x0  }
0x9b: {  	s1 =	simm.s32 @p0 $0x8800;
	s21 =	simm.s32 @!p0 $0x2;
	[sflag:s29] =	ssyncadd.s32 @p0 $0xFFFFE000  }
0x9c: {  	[hbm4b:s7+s24] =	stream.linear.scatter @p0 [tilespmem:s1], [sflag:$0x2], $0x2000, $0x38;
	[tilespmem:$0x16800] =	vst v63  }
0x9d: {  	_ =	swait.ge @!p0 [sflag:s21], $0x2000  }
0x9e: {  	s23 =	simm.s32 @!p0 $0x80;
	s1 =	sshra.s32 @!p0 s5, $0x2;
	[sflag:s21] =	ssyncset.done @!p0 $0x0  }
0x9f: {  	s31 =	simm.s32 @!p0 $0x2800;
	s26 =	sadd.s32 @!p0 $0x500, s1;
	[sflag:s21] =	ssyncadd.s32 @!p0 $0xFFFFE000  }
0xa0: {  	[tilespmem:s31], [sflag:$0x1] =	stream.indirect.gather @!p0 [hbm4b:s4+s23], $0x40, s26, s23, $0xb8;
	[tilespmem:$0x16800] =	vst v63  }
0xa1: {  	s26 =	simm.s32 @!p0 $0x1  }
0xa2: {  	_ =	swait.ge @!p0 [sflag:s26], $0x2000  }
0xa3: {  	s0 =	simm.s32 @!p0 $0x0;
	[sflag:s26] =	ssyncset.done @!p0 $0x0  }
0xa4: {  	s2 =	simm.s32 @!p0 $0x8800;
	s31 =	sadd.s32 @!p0 s10, s18;
	[sflag:s26] =	ssyncadd.s32 @!p0 $0xFFFFE000  }
0xa5: {  	[hbm4b:s31+s0] =	stream.linear.scatter @!p0 [tilespmem:s2], [sflag:$0x2], $0x2000, $0x38;
	[tilespmem:$0x16800] =	vst v63  }
0xa6: {  	_ =	swait.ge @!p0 [sflag:s21], $0x2000  }
0xa7: {  	[sflag:s21] =	ssyncset.done @!p0 $0x0  }
0xa8: {  	s12 =	simm.s32 @!p0 $0x4800;
	s31 =	sadd.s32 @!p0 $0x580, s1;
	[sflag:s21] =	ssyncadd.s32 @!p0 $0xFFFFE000  }
0xa9: {  	[tilespmem:s12], [sflag:$0x1] =	stream.indirect.gather @!p0 [hbm4b:s4+s23], $0x40, s31, s23, $0xb8;
	[tilespmem:$0x16800] =	vst v63  }
0xaa: {  	_ =	swait.ge [sflag:s28], $0x2000  }
0xab: {  	[sflag:s28] =	ssyncset.done $0x0  }
0xac: {  	s12 =	sadd.s32 s10, s17;
	s31 =	simm.s32 $0xA800;
	[sflag:s28] =	ssyncadd.s32 $0xFFFFE000  }
0xad: {  	[hbm4b:s12+s3] =	stream.linear.scatter [tilespmem:s31], [sflag:$0x2], $0x2000, $0x38;
	[tilespmem:$0x16800] =	vst v63  }
0xae: {  	_ =	swait.ge @p0 [sflag:s29], $0x2000  }
0xaf: {  	[sflag:s29] =	ssyncset.done @p0 $0x0  }
0xb0: {  	s12 =	simm.s32 @p0 $0xC800;
	[sflag:s29] =	ssyncadd.s32 @p0 $0xFFFFE000  }
0xb1: {  	[hbm4b:s8+s24] =	stream.linear.scatter @p0 [tilespmem:s12], [sflag:$0x2], $0x2000, $0x38;
	[tilespmem:$0x16800] =	vst v63  }
0xb2: {  	_ =	swait.ge @!p0 [sflag:s21], $0x2000  }
0xb3: {  	[sflag:s21] =	ssyncset.done @!p0 $0x0  }
0xb4: {  	s31 =	simm.s32 @!p0 $0x6800;
	s12 =	sadd.s32 @!p0 $0x600, s1;
	[sflag:s21] =	ssyncadd.s32 @!p0 $0xFFFFE000  }
0xb5: {  	[tilespmem:s31], [sflag:$0x1] =	stream.indirect.gather @!p0 [hbm4b:s4+s23], $0x40, s12, s23, $0xb8;
	[tilespmem:$0x16800] =	vst v63  }
0xb6: {  	_ =	swait.ge @!p0 [sflag:s26], $0x2000  }
0xb7: {  	[sflag:s26] =	ssyncset.done @!p0 $0x0  }
0xb8: {  	s12 =	sadd.s32 @!p0 s10, s16;
	s31 =	simm.s32 @!p0 $0xC800;
	[sflag:s26] =	ssyncadd.s32 @!p0 $0xFFFFE000  }
0xb9: {  	[hbm4b:s12+s0] =	stream.linear.scatter @!p0 [tilespmem:s31], [sflag:$0x2], $0x2000, $0x38;
	[tilespmem:$0x16800] =	vst v63  }
0xba: {  	_ =	swait.ge @!p0 [sflag:s21], $0x2000  }
0xbb: {  	[sflag:s21] =	ssyncset.done @!p0 $0x0  }
0xbc: {  	s12 =	sadd.s32 @!p0 $0x680, s1;
	[sflag:s21] =	ssyncadd.s32 @!p0 $0xFFFFE000  }
0xbd: {  	[tilespmem:s2], [sflag:$0x1] =	stream.indirect.gather @!p0 [hbm4b:s4+s23], $0x40, s12, s23, $0xb8;
	[tilespmem:$0x16800] =	vst v63  }
0xbe: {  	_ =	swait.ge [sflag:s28], $0x2000  }
0xbf: {  	[sflag:s28] =	ssyncset.done $0x0  }
0xc0: {  	s12 =	sadd.s32 s10, s15;
	[sflag:s28] =	ssyncadd.s32 $0xFFFFE000  }
0xc1: {  	[hbm4b:s12+s3] =	stream.linear.scatter [tilespmem:s25], [sflag:$0x2], $0x2000, $0x38;
	[tilespmem:$0x16800] =	vst v63  }
0xc2: {  	_ =	swait.ge @p0 [sflag:s29], $0x2000  }
0xc3: {  	[sflag:s29] =	ssyncset.done @p0 $0x0  }
0xc4: {  	s2 =	simm.s32 @p0 $0x10800;
	[sflag:s29] =	ssyncadd.s32 @p0 $0xFFFFE000  }
0xc5: {  	[hbm4b:s9+s24] =	stream.linear.scatter @p0 [tilespmem:s2], [sflag:$0x2], $0x2000, $0x38;
	[tilespmem:$0x16800] =	vst v63  }
0xc6: {  	_ =	swait.ge @!p0 [sflag:s21], $0x2000  }
0xc7: {  	[sflag:s21] =	ssyncset.done @!p0 $0x0  }
0xc8: {  	s12 =	simm.s32 @!p0 $0xA800;
	s2 =	sadd.s32 @!p0 $0x700, s1;
	[sflag:s21] =	ssyncadd.s32 @!p0 $0xFFFFE000  }
0xc9: {  	[tilespmem:s12], [sflag:$0x1] =	stream.indirect.gather @!p0 [hbm4b:s4+s23], $0x40, s2, s23, $0xb8;
	[tilespmem:$0x16800] =	vst v63  }
0xca: {  	_ =	swait.ge @!p0 [sflag:s26], $0x2000  }
0xcb: {  	[sflag:s26] =	ssyncset.done @!p0 $0x0  }
0xcc: {  	s2 =	sadd.s32 @!p0 s10, s14;
	s12 =	simm.s32 @!p0 $0x10800;
	[sflag:s26] =	ssyncadd.s32 @!p0 $0xFFFFE000  }
0xcd: {  	[hbm4b:s2+s0] =	stream.linear.scatter @!p0 [tilespmem:s12], [sflag:$0x2], $0x2000, $0x38;
	[tilespmem:$0x16800] =	vst v63  }
0xce: {  	_ =	swait.ge @!p0 [sflag:s21], $0x2000  }
0xcf: {  	[sflag:s21] =	ssyncset.done @!p0 $0x0  }
0xd0: {  	s0 =	sadd.s32 @!p0 $0x780, s1;
	[sflag:s21] =	ssyncadd.s32 @!p0 $0xFFFFE000  }
0xd1: {  	[tilespmem:s31], [sflag:$0x1] =	stream.indirect.gather @!p0 [hbm4b:s4+s23], $0x40, s0, s23, $0xb8;
	[tilespmem:$0x16800] =	vst v63  }
.Ltmp3:
0xd2: {  	_ = 	snop;
	(pc) =	sbr.rel @p0 .LBB2_6-.Ltmp3, $4  }
0xd3: {  	_ =	swait.ge [sflag:s28], $0x2000  }
0xd4: {  	[sflag:s28] =	ssyncset.done $0x0  }
0xd5: {  	s29 =	sadd.s32 s10, s13;
	s31 =	simm.s32 $0x12800;
	[sflag:s28] =	ssyncadd.s32 $0xFFFFE000  }
0xd6: {  	[hbm4b:s29+s3] =	stream.linear.scatter [tilespmem:s31], [sflag:$0x2], $0x2000, $0x38;
	[tilespmem:$0x16800] =	vst v63  }
0xd7: {  	_ =	swait.ge [sflag:s30], $0x2000  }
0xd8: {  	s0 =	sshra.s32 s5, $0x2;
	[sflag:s30] =	ssyncset.done $0x0  }
0xd9: {  	s1 =	sadd.s32 $0x800, s0;
	[sflag:s30] =	ssyncadd.s32 $0xFFFFE000  }
0xda: {  	[tilespmem:s25], [sflag:$0x1] =	stream.indirect.gather [hbm4b:s4+s22], $0x40, s1, s22, $0xb8;
	[tilespmem:$0x16800] =	vst v63  }
0xdb: {  	_ =	swait.ge [sflag:s28], $0x2000  }
0xdc: {  	[sflag:s28] =	ssyncset.done $0x0;
	s29 =	rddreg [dreg:$0x7]  }
0xdd: {  	s2 =	simm.s32 $0x14800;
	[sflag:s28] =	ssyncadd.s32 $0xFFFFE000;
	s1 =	sadd.s32 s10, s29  }
0xde: {  	[hbm4b:s1+s3] =	stream.linear.scatter [tilespmem:s2], [sflag:$0x2], $0x2000, $0x38;
	[tilespmem:$0x16800] =	vst v63  }
.Ltmp4:
0xdf: {  	_ = 	snop;
	(pc) =	sbr.rel .LBB2_4-.Ltmp4, $4  }
0xe0: {  	s31 =	simm.s32 $0x10800;
	_ =	swait.ge [sflag:s30], $0x2000  }
0xe1: {  	s5 =	sadd.s32 $0x1400, s5;
	s6 =	sadd.s32 $0xA, s6;
	[sflag:s30] =	ssyncset.done $0x0  }
0xe2: {  	s0 =	sadd.s32 $0x880, s0;
	s10 =	sadd.s32 $0x2800, s10;
	[sflag:s30] =	ssyncadd.s32 $0xFFFFE000  }
0xe3: {  	[tilespmem:s31], [sflag:$0x1] =	stream.indirect.gather [hbm4b:s4+s22], $0x40, s0, s22, $0xb8;
	[tilespmem:$0x16800] =	vst v63  }
.LBB2_7:
0xe4: {  	_ =	sfence.sel $0x180000  }
0xe5: {  	[bflag:$0x0] =	sbarrier.arrive $0xFFFF  }
0xe6: {  	_ =	strace $0x90000047  }
0xe7: {  	s0 =	stileid.u32;
	[bflag:$0x2] =	sbarrier.arrive $0xFFFF  }
0xe8: {  	p0 =	sne.s32 s0, $0x0;
	s0 =	rddreg [dreg:$0x3]  }
0xe9: {  	s0 =	sadd.s32 @!p0 $0x100000, s0  }
0xea: {  	[sflag:s0] =	ssyncadd.tile.s32 @!p0 $0x1;
	_ =	shalt  }
.Lfunc_end2:
_tile_overlayer_lowered:
.L_overlay_start_2:
0xeb: {  	(tag) =	ssettag $0x2  }
0xec: {  	s0 =	rddreg [dreg:$0x0];
	s2 =	stileid.u32  }
0xed: {  	s1 =	rddreg [dreg:$0x1];
	p0 =	sne.s32 s2, $0x0  }
0xee: {  	s3 =	rddreg [dreg:$0x2];
	[bflag:$0x3] =	sbarrier.arrive $0xFFFF;
	s2 =	simm.s32 @!p0 $0x1C03  }
0xef: {  	[timem:s3], [sflag:s2] =	dma.local @!p0 [hbm:s0], s1  }
0xf0: {  	s0 =	simm.s32 @!p0 $0x3  }
0xf1: {  	_ =	swait.ge @!p0 [sflag:s0], s1  }
0xf2: {  	s1 =	ssub.s32 @!p0 $0x0, s1;
	[sflag:s0] =	ssyncset.done @!p0 $0x0  }
0xf3: {  	[sflag:s0] =	ssyncadd.s32 @!p0 s1  }
0xf4: {  	[bflag:$0x3] =	sbarrier.arrive $0xFFFF  }
0xf5: {  	_ =	shalt  }

// kernel: sparse-core-data-format-call.cloned.1.call-start
scs
called_computation_lowered:
.L_overlay_start_0:
0x0: {  	s2 =	sld [smem:$0x3FD9]  }
0x1: {  	s3 =	sld [smem:$0x3FFE];
	_ =	sdelay $0x1  }
0x2: {  	s1 =	srdreg.scid  }
0x3: {  	s0 =	sand.u32 $0x1, s1  }
0x4: {  	s18 =	sshll.u32 s0, $0xA;
	s2 =	sadd.s32 s3, s2  }
0x5: {  	s2 =	sadd.s32 s2, s18  }
0x6: {  	[smem:$0x3FC6] =	sst s2  }
0x7: {  	_ = 	snop  }
0x8: {  	s2 =	sld [smem:$0x3FD0];
	(tm) =	ssettm $0x1  }
0x9: {  	s19 =	sld [smem:$0x3FFB];
	_ =	sdelay $0x3  }
0xa: {  	_ =	strace s19  }
0xb: {  	s3 =	sld [smem:$0x3FFC];
	_ =	sdelay $0x3  }
0xc: {  	_ =	strace s3  }
0xd: {  	s3 =	sld [smem:$0x3FFD];
	_ =	sdelay $0x3  }
0xe: {  	_ =	strace s3  }
0xf: {  	_ =	strace $0x8FFFFFFF  }
0x10: {  	s20 =	sld [smem:$0x3FDB];
	_ =	sdelay $0x1  }
0x11: {  	s4 =	simm.s32 $_scs_section_size  }
0x12: {  	s5 =	simm.s32 $_size__tile_overlayer_lowered;
	s6 =	simm.s32 $_tile_overlayer_lowered  }
0x13: {  	s23 =	simm.s32 $0x1BFF;
	s22 =	sshll.u32 s6, $0x1;
	s3 =	sadd.s32 s4, s20  }
0x14: {  	s7 =	simm.s32 $0x0;
	s21 =	sshll.u32 s5, $0x1;
	s5 =	sadd.s32 s22, s3  }
0x15: {  	[timem:s7], [sflag:s23] =	dma.local [hbm:s5], s21  }
0x16: {  	_ =	swait.ge [sflag:s23], s21  }
0x17: {  	s4 =	ssub.s32 $0x0, s21;
	[sflag:s23] =	ssyncset.done $0x0  }
0x18: {  	[sflag:s23] =	ssyncadd.s32 s4;
	_ =	sdelay $0x1  }
0x19: {  	s24 =	simm.s32 $0x1B8B  }
0x1a: {  	_ =	swait.ge [sflag:s24], $0x1  }
0x1b: {  	[sflag:s24] =	ssyncset.done $0x0  }
0x1c: {  	s26 =	simm.s32 $0x1B8E;
	s25 =	sld [smem:$0x3FFE];
	[sflag:s24] =	ssyncadd.s32 $0xFFFFFFFF  }
0x1d: {  	s27 =	simm.s32 $execute0_lowered;
	[smem:$0x3FD2] =	sst s26  }
0x1e: {  	s5 =	sshll.u32 s27, $0x1;
	_ =	strace $0x80000049;
	[dreg:$0x1] =	wrdreg $0xFFFFFFFF  }
0x1f: {  	s28 =	simm.s32 $_size_execute0_lowered;
	s3 =	sadd.s32 s3, s5;
	[dreg:$0x0] =	wrdreg $0x0  }
0x20: {  	s5 =	sshll.u32 s28, $0x1;
	[dreg:$0x2] =	wrdreg s3  }
0x21: {  	[dreg:$0x3] =	wrdreg s5  }
0x22: {  	[dreg:$0x4] =	wrdreg $0xC0  }
0x23: {  	_ =	task [dreg:s7], $0x5FFFF  }
0x24: {  	[dreg:$0x1] =	wrdreg $0xFFFFFFFF  }
0x25: {  	[dreg:$0x0] =	wrdreg $0x60  }
0x26: {  	[dreg:$0x2] =	wrdreg s25  }
0x27: {  	[dreg:$0x3] =	wrdreg s2  }
0x28: {  	[dreg:$0x4] =	wrdreg $0x9  }
0x29: {  	_ =	task.clear_ibuf [dreg:s7], $0x5FFFF;
	_ =	strace $0x90000049  }
0x2a: {  	s29 =	simm.s32 $0x9;
	_ =	strace $0x8000004B  }
0x2b: {  	_ =	swait.ge [sflag:s29], $0x1  }
0x2c: {  	[sflag:s29] =	ssyncadd.s32 $0xFFFFFFFF  }
0x2d: {  	_ =	strace $0x9000004B  }
0x2e: {  	_ =	sfence  }
0x2f: {  	s30 =	sld [smem:$0x0];
	_ =	sdelay $0x2  }
0x30: {  	s31 =	sshll.u32 s1, $0xD;
	s1 =	sshrl.u32 s1, $0x2  }
0x31: {  	s3 =	sand.u32 $0x4000, s31;
	s1 =	sadd.s32 s1, s30  }
0x32: {  	s0 =	sor.u32 s3, s0;
	s1 =	sshll.u32 s1, $0x11  }
0x33: {  	s0 =	sor.u32 s1, s0  }
0x34: {  	s0 =	sadd.s32 $0x8F2B, s0  }
0x35: {  	[sflag:s0] =	ssyncadd.remote.s32 $0x1  }
0x36: {  	_ =	sfence.sel $0xFFFF  }
0x37: {  	[dreg:$0x0] =	wrdreg $0xFFFFFFFF;
	(pc) =	sbr.abs _section_cstart, $3  }
0x38: {  	[dreg:$0x1] =	wrdreg $0xFFFFFFFF  }
0x39: {  	_ =	task.clear_ibuf [dreg:s7], $0x2FFFF;
	_ =	strace $0x9FFFFFFF  }
0x3a: {  	(tm) =	ssettm $0x7FFFFFFF  }
0x3b: {  	_ =	shalt  }
tec
execute0_lowered:
.L_overlay_start_1:
0x0: {  	(tag) =	ssettag $0x1  }
0x1: {  	s0 =	srdreg.scid  }
0x2: {  	s1 =	sshll.u32 s0, $0x4  }
0x3: {  	s4 =	rddreg [dreg:$0x0];
	s0 =	stileid.u32;
	s1 =	sand.u32 $0x10, s1  }
0x4: {  	s2 =	rddreg [dreg:$0x1];
	s7 =	simm.s32 $0x1;
	s1 =	sor.u32 s0, s1  }
0x5: {  	s8 =	simm.s32 $0x2;
	s11 =	simm.s32 $0x0;
	s3 =	sshll.u32 s1, $0x7  }
0x6: {  	s10 =	simm.s32 $0x0;
	s4 =	sadd.s32 $0x800, s4;
	s6 =	ssub.s32 $0x50000, s3  }
.Ltmp0:
0x7: {  	s1 =	rddreg [dreg:$0x2];
	s5 =	sand.u32 $0xF80, s6;
	(pc) =	sbr.rel .LBB1_1-.Ltmp0, $4  }
0x8: {  	_ =	strace $0x8000004A;
	s9 =	smov.u32 s3;
	p0 =	sne.s32 s5, $0x0  }
0x9: {  	s6 =	sshrl.u32 s6, $0xC;
	s5 =	simm.s32 $0x1;
	s7 =	simm.s32 @!p0 $0x0  }
0xa: {  	[sflag:s5] =	ssyncpa.u1 $0x0;
	p0 =	por $0x0, $0x0;
	s6 =	sadd.s32 s7, s6  }
0xb: {  	[sflag:s8] =	ssyncpa.u1 $0x0;
	s8 =	simm.s32 $0x280000;
	s7 =	sadd.s32 $0x1, s6  }
.LBB1_4:
0xc: {  	s14 =	sshll.u32 s11, $0x3  }
0xd: {  	s30 =	sand.u32 $0x7F, s11;
	s15 =	sand.u32 $0xFFFFFC00, s14  }
0xe: {  	s11 =	sor.u32 s30, s15  }
0xf: {  	s15 =	smulhi.u32 $0xCCCCCCCD, s11  }
0x10: {  	s14 =	smulhi.u32 $0xCCCCCCCD, s14  }
0x11: {  	s15 =	sshrl.u32 s15, $0x12  }
0x12: {  	s14 =	sshrl.u32 s14, $0x12;
	s15 =	smul.u32 $0x50000, s15  }
0x13: {  	s14 =	sand.u32 $0x3F, s14  }
0x14: {  	s14 =	smul.u32 $0xA000, s14;
	s11 =	ssub.s32 s11, s15  }
0x15: {  	[tilespmem:s13+$0x810 ss:$0x81] =	vst.msk $0xffff, v2;
	s15 =	sand.u32 $0x7, s11  }
0x16: {  	[tilespmem:s13+$0x1020 ss:$0x81] =	vst.msk $0xffff, v0;
	s14 =	sadd.s32 s2, s14;
	s11 =	sshrl.u32 s11, $0x3;
	s15 =	sshll.u32 s15, $0x12  }
0x17: {  	[tilespmem:s13+$0x0 ss:$0x81] =	vst.msk $0xffff, v1;
	s11 =	sadd.s32 s11, s14;
	s31 =	sor.u32 $0x400, s15  }
0x18: {  	[hbm4b:s11+s31] =	stream.strided.scatter [tilespmem:s12], [sflag:$0x2], $0x2000, s8, s31, $0x20;
	[tilespmem:$0x8080] =	vst v63  }
.LBB1_5:
0x19: {  	s13 =	sadd.s32 $0x1000, s9  }
0x1a: {  	p2 =	sgt.s32 s13, $0x4FFFF  }
0x1b: {  	s13 =	smov.u32 @p2 s3;
	p2 =	sne.s32 s10, s7  }
.Ltmp1:
0x1c: {  	p1 =	slt.u32 s10, $0x2;
	(pc) =	sbr.rel @!p2 .LBB1_6-.Ltmp1, $4  }
0x1d: {  	s12 =	simm.s32 @!p1 $0x2  }
0x1e: {  	s14 =	sadd.s32 $0x1, s10;
	_ =	swait.ge @!p1 [sflag:s12], $0x2000  }
0x1f: {  	s11 =	smov.u32 s9;
	p0 =	por !p0, !p0;
	[sflag:s12] =	ssyncset.done @!p1 $0x0  }
0x20: {  	s10 =	smov.u32 s14;
	s9 =	smov.u32 s13;
	[sflag:s12] =	ssyncadd.s32 @!p1 $0xFFFFE000  }
.LBB1_1:
0x21: {  	p1 =	sge.u32 s10, s6  }
0x22: {  	s12 =	sand.u32 @!p1 $0x1FFFFFF, s9  }
0x23: {  	s13 =	smulhi.u32 @!p1 $0xCCCCCD, s12;
	_ =	sdelay $0x1  }
0x24: {  	s13 =	sshrl.u32 @!p1 s13, $0xA  }
0x25: {  	s13 =	smul.u32 @!p1 $0x50000, s13;
	_ =	sdelay $0x1  }
0x26: {  	s31 =	sadd.s32 $0xFFFFFFFF, s10;
	s14 =	sxor.u32 @!p1 $0xFFFFFFFF, s10;
	s12 =	ssub.s32 @!p1 s12, s13  }
0x27: {  	s15 =	simm.s32 @!p1 $0x80;
	s14 =	sshll.u32 @!p1 s14, $0xD;
	s12 =	sshll.u32 @!p1 s12, $0x4  }
0x28: {  	s13 =	sand.u32 @!p1 $0x2000, s14;
	s14 =	simm.s32 @!p1 $0x40;
	s12 =	sadd.s32 @!p1 s4, s12  }
0x29: {  	[tilespmem:s13], [sflag:$0x1] =	stream.strided.gather @!p1 [hbm4b:s12+s14], $0x2000, s15, s14, $0x38;
	[tilespmem:$0x8080] =	vst v63  }
0x2a: {  	p1 =	sge.u32 s31, s6  }
.Ltmp2:
0x2b: {  	_ = 	snop;
	(pc) =	sbr.rel @p1 .LBB1_5-.Ltmp2, $1  }
0x2c: {  	_ =	sdelay $0x3  }
0x2d: {  	s12 =	simm.s32 $0x1  }
0x2e: {  	_ =	swait.ge [sflag:s5], $0x2000;
	s12 =	simm.s32 @!p0 $0x0  }
0x2f: {  	[sflag:s5] =	ssyncset.done $0x0;
	s13 =	sshll.u32 s12, $0xD  }
0x30: {  	[sflag:s5] =	ssyncadd.s32 $0xFFFFE000;
	s16 =	sor.u32 $0x20, s13  }
0x31: {  	s12 =	smul.u32 $0x8100, s12;
	v3 =	vld [tilespmem:s16+$0x10]  }
0x32: {  	s30 =	sand.u32 $0x1, s10;
	v2 =	vld [tilespmem:s16+$0xFFFFFFF0]  }
0x33: {  	s13 =	smul.u32 $0x8100, s30;
	s12 =	sshrl.u32 s12, $0x2;
	v0 =	vld [tilespmem:s16+$0x0]  }
0x34: {  	v1 =	vld [tilespmem:s16+$0xFFFFFFE0];
	s14 =	sor.u32 $0x4000, s12  }
0x35: {  	s31 =	sshrl.u32 s13, $0x2;
	s13 =	sadd.s32 $0x0, s14  }
0x36: {  	s15 =	simm.s32 $0x4;
	s16 =	sadd.s32 $0x40, s16;
	s12 =	sor.u32 $0x4000, s31;
	[tilespmem:s13+$0x1830 ss:$0x81] =	vst.msk $0xffff, v3  }
.LBB1_3:
0x37: {  	v3 =	vld [tilespmem:s16+$0x10];
	p1 =	sne.s32 s15, $0x1FC;
	[tilespmem:s13+$0x810 ss:$0x81] =	vst.msk $0xffff, v2;
	s17 =	smov.u32 s15;
	s15 =	sadd.s32 $0x4, s15  }
.Ltmp3:
0x38: {  	v2 =	vld [tilespmem:s16+$0xFFFFFFF0];
	[tilespmem:s13+$0x1020 ss:$0x81] =	vst.msk $0xffff, v0;
	(pc) =	sbr.rel @p1 .LBB1_3-.Ltmp3, $4  }
0x39: {  	v0 =	vld [tilespmem:s16+$0x0];
	[tilespmem:s13+$0x0 ss:$0x81] =	vst.msk $0xffff, v1  }
0x3a: {  	s13 =	sshra.s32 s17, $0x2;
	v1 =	vld [tilespmem:s16+$0xFFFFFFE0]  }
0x3b: {  	s13 =	sadd.s32 s13, s14  }
0x3c: {  	s16 =	sadd.s32 $0x40, s16;
	[tilespmem:s13+$0x1830 ss:$0x81] =	vst.msk $0xffff, v3  }
.Ltmp4:
0x3d: {  	_ = 	snop;
	(pc) =	sbr.rel .LBB1_4-.Ltmp4, $1  }
0x3e: {  	_ =	sdelay $0x3  }
.LBB1_6:
0x3f: {  	_ =	sfence.sel $0x180000  }
0x40: {  	s2 =	simm.s32 $0x1;
	[bflag:$0x0] =	sbarrier.arrive $0xFFFF  }
0x41: {  	s31 =	simm.s32 $0x2;
	[sflag:s2] =	ssyncpa.u1 $0x1  }
0x42: {  	[sflag:s31] =	ssyncpa.u1 $0x1  }
0x43: {  	p0 =	sne.s32 s0, $0x0;
	_ =	strace $0x9000004A  }
0x44: {  	s0 =	sadd.s32 @!p0 $0x100000, s1;
	[bflag:$0x2] =	sbarrier.arrive $0xFFFF  }
0x45: {  	[sflag:s0] =	ssyncadd.tile.s32 @!p0 $0x1;
	_ =	shalt  }
.Lfunc_end1:
_tile_overlayer_lowered:
.L_overlay_start_2:
0x46: {  	(tag) =	ssettag $0x2  }
0x47: {  	s0 =	rddreg [dreg:$0x0];
	s2 =	stileid.u32  }
0x48: {  	s1 =	rddreg [dreg:$0x1];
	p0 =	sne.s32 s2, $0x0  }
0x49: {  	s3 =	rddreg [dreg:$0x2];
	[bflag:$0x3] =	sbarrier.arrive $0xFFFF;
	s2 =	simm.s32 @!p0 $0x1C01  }
0x4a: {  	[timem:s3], [sflag:s2] =	dma.local @!p0 [hbm:s0], s1  }
0x4b: {  	s0 =	simm.s32 @!p0 $0x1  }
0x4c: {  	_ =	swait.ge @!p0 [sflag:s0], s1  }
0x4d: {  	s1 =	ssub.s32 @!p0 $0x0, s1;
	[sflag:s0] =	ssyncset.done @!p0 $0x0  }
0x4e: {  	[sflag:s0] =	ssyncadd.s32 @!p0 s1  }
0x4f: {  	[bflag:$0x3] =	sbarrier.arrive $0xFFFF  }
0x50: {  	_ =	shalt  }

</sc_bundles>
